<compile_context>
chip_gen: v7x
topology: tpu7x:2x2x1
jax: 0.10.2.dev20260603
libtpu: 0.0.44.dev20260713+nightly
codegen_flags: <defaults>
</compile_context>

<pallas_src>
import jax
import jax.numpy as jnp
from jax import lax
from jax.experimental import pallas as pl
from jax.experimental.pallas import tpu as pltpu
from jax.experimental.pallas import tpu_sc as plsc

_B, _T, _N, _F = 2, 16, 1000, 128
_HID, _RNN_H = 128, 256
_E = 16000
_NP = 1024
_G = _B * _T
_NS = 16
_ROWS = _NP // _NS
_L = 16
_EH = _E // 2
_W = _G * _HID


def _sc_body(src_hbm, dst_hbm, out_hbm, src_v, dst_v, acc_v):
    cid = lax.axis_index("c")
    sid = lax.axis_index("s")
    lo = sid * _ROWS
    pltpu.sync_copy(src_hbm.at[pl.ds(cid * _EH, _EH)], src_v)
    pltpu.sync_copy(dst_hbm.at[pl.ds(cid * _EH, _EH)], dst_v)

    lane = lax.iota(jnp.int32, _L)
    ones = jnp.full((_L,), 1.0, jnp.float32)

    zv = jnp.zeros((_L,), jnp.float32)

    def zbody(i, carry):
        for u in range(_NP // _L):
            acc_v[i, pl.ds(u * _L, _L)] = zv
        return carry

    lax.fori_loop(0, _ROWS, zbody, 0)

    def ebody(k, carry):
        for u in range(4):
            s = src_v[pl.ds(k * 4 * _L + u * _L, _L)]
            d = dst_v[pl.ds(k * 4 * _L + u * _L, _L)]
            r = d - lo
            m = (r >= 0) & (r < _ROWS)
            idx = r * _NP + s
            cnt, last = plsc.scan_count(idx, m)
            plsc.addupdate_scatter(acc_v, [r, s], cnt.astype(jnp.float32),
                                   mask=last & m)
        return carry

    lax.fori_loop(0, _EH // (4 * _L), ebody, 0)

    @pl.when(cid == 0)
    def _():
        for chunk in range(_ROWS // _L):
            r = chunk * _L + lane
            g = lo + r
            plsc.addupdate_scatter(acc_v, [r, g], ones, mask=g < _N)

    pltpu.sync_copy(acc_v, out_hbm.at[pl.ds(cid * _NP + lo, _ROWS), :])


@jax.jit
def _build_counts(src, dst):
    mesh = plsc.VectorSubcoreMesh(core_axis_name="c", subcore_axis_name="s")
    fn = pl.kernel(
        _sc_body,
        out_type=jax.ShapeDtypeStruct((2 * _NP, _NP), jnp.float32),
        mesh=mesh,
        scratch_types=[
            pltpu.VMEM((_EH,), jnp.int32),
            pltpu.VMEM((_EH,), jnp.int32),
            pltpu.VMEM((_ROWS, _NP), jnp.float32),
        ],
        compiler_params=pltpu.CompilerParams(needs_layout_passes=False),
    )
    return fn(src, dst)


def _sigmoid(x):
    return 1.0 / (1.0 + jnp.exp(-x))


def _dot_t(a, b):
    return lax.dot_general(a, b, (((1,), (1,)), ((), ())),
                           preferred_element_type=jnp.float32)


def _tc_body(x3, cmat_hbm, w0, w1, w2, b0, b1, b2, attn_w, attn_b,
             mask_bt, mask32, wih_f, whh_f, bih_f, bhh_f,
             wih_b, whh_b, bih_b, bhh_b,
             ptr_w1, ptr_b1, ptr_w2, ptr_b2,
             mu_w, mu_b, lv_w, lv_b,
             mu_o, lv_o, at_o, mh_o, sg_o,
             state, m1s, gi_ref, hf, hb, cvm, xbuf, sem_c, sem_x):
    half = _G // 2
    pltpu.make_async_copy(x3.at[0:half], xbuf.at[0], sem_x.at[0]).start()
    pltpu.make_async_copy(x3.at[half:_G], xbuf.at[1], sem_x.at[1]).start()
    pltpu.make_async_copy(cmat_hbm, cvm, sem_c).start()

    m1s[_N:_NP, :] = jnp.zeros((_NP - _N, _W), jnp.bfloat16)

    w0v = w0[...].astype(jnp.bfloat16)

    pltpu.make_async_copy(x3.at[0:half], xbuf.at[0], sem_x.at[0]).wait()
    for g in range(_G):
        if g == half:
            pltpu.make_async_copy(x3.at[half:_G], xbuf.at[1],
                                  sem_x.at[1]).wait()
        xg = xbuf[g // half, g % half].astype(jnp.bfloat16)
        m = jnp.dot(xg, w0v, preferred_element_type=jnp.float32)
        m1s[0:_N, g * _HID:(g + 1) * _HID] = m.astype(jnp.bfloat16)

    pltpu.make_async_copy(cmat_hbm, cvm, sem_c).wait()
    c = cvm[0:_NP, :] + cvm[_NP:2 * _NP, :]
    deg = jnp.sum(c, axis=1, keepdims=True)
    row = lax.broadcasted_iota(jnp.int32, (_NP, 1), 0)
    dis = jnp.where(row < _N, lax.rsqrt(jnp.maximum(deg, 1e-12)), 0.0)
    ab = (c * dis * jnp.transpose(dis)).astype(jnp.bfloat16)

    def agg(bias_row):
        bt = jnp.concatenate([bias_row] * _G, axis=1)
        for h in range(4):
            sl = slice(h * _NP, (h + 1) * _NP)
            m2 = jnp.dot(ab, m1s[:, sl], preferred_element_type=jnp.float32)
            state[:, sl] = jnp.maximum(m2 + bt[:, sl], 0.0).astype(jnp.bfloat16)

    agg(b0[...])

    for wref, bref in ((w1, b1), (w2, b2)):
        wv = wref[...].astype(jnp.bfloat16)
        for g in range(_G):
            xb = state[:, g * _HID:(g + 1) * _HID]
            m = jnp.dot(xb, wv, preferred_element_type=jnp.float32)
            m1s[:, g * _HID:(g + 1) * _HID] = m.astype(jnp.bfloat16)
        agg(bref[...])

    sb = state[...]
    wcol = jnp.concatenate([attn_w[...]] * _G, axis=0)
    rblk = lax.broadcasted_iota(jnp.int32, (_W, _G), 0) // _HID
    gcol = lax.broadcasted_iota(jnp.int32, (_W, _G), 1)
    awbd = jnp.where(rblk == gcol, wcol, 0.0).astype(jnp.bfloat16)
    logits = jnp.dot(sb, awbd,
                     preferred_element_type=jnp.float32) + attn_b[0, 0]
    logits = jnp.where(row < _N, logits, -1e30)
    e = jnp.exp(logits - jnp.max(logits, axis=0, keepdims=True))
    ealpha = e / (jnp.sum(e, axis=0, keepdims=True) + 1e-16)
    pooled = lax.dot_general(ealpha.astype(jnp.bfloat16), sb,
                             (((0,), (0,)), ((), ())),
                             preferred_element_type=jnp.float32)
    embs32 = jnp.concatenate(
        [pooled[g:g + 1, g * _HID:(g + 1) * _HID] for g in range(_G)],
        axis=0) * mask32[...]

    gi_ref[:, 0:4 * _RNN_H] = _dot_t(embs32, wih_f[...])
    gi_ref[:, 4 * _RNN_H:8 * _RNN_H] = _dot_t(embs32, wih_b[...])
    whf = whh_f[...]
    whb = whh_b[...]
    bsum_f = bih_f[...] + bhh_f[...]
    bsum_b = bih_b[...] + bhh_b[...]

    def gates(g4):
        ig = _sigmoid(g4[:, 0:256])
        fg = _sigmoid(g4[:, 256:512])
        gg = jnp.tanh(g4[:, 512:768])
        og = _sigmoid(g4[:, 768:1024])
        return ig, fg, gg, og

    z2 = jnp.zeros((_B, _RNN_H), jnp.float32)
    hf2, cf2, hb2, cb2 = z2, z2, z2, z2
    for t in range(_T):
        tb = _T - 1 - t
        gf = jnp.concatenate(
            [gi_ref[t:t + 1, 0:1024], gi_ref[_T + t:_T + t + 1, 0:1024]],
            axis=0)
        gb = jnp.concatenate(
            [gi_ref[tb:tb + 1, 1024:2048],
             gi_ref[_T + tb:_T + tb + 1, 1024:2048]], axis=0)
        g4f = _dot_t(hf2, whf) + gf + bsum_f
        g4b = _dot_t(hb2, whb) + gb + bsum_b
        i_f, f_f, g_f, o_f = gates(g4f)
        i_b, f_b, g_b, o_b = gates(g4b)
        cf2 = f_f * cf2 + i_f * g_f
        hf2 = o_f * jnp.tanh(cf2)
        cb2 = f_b * cb2 + i_b * g_b
        hb2 = o_b * jnp.tanh(cb2)
        hf[t:t + 1, :] = hf2[0:1]
        hf[_T + t:_T + t + 1, :] = hf2[1:2]
        hb[tb:tb + 1, :] = hb2[0:1]
        hb[_T + tb:_T + tb + 1, :] = hb2[1:2]

    mv = mask32[...]
    hfm = hf[...] * mv
    hbm = hb[...] * mv
    lengths = jnp.sum(mask_bt[...], axis=1, keepdims=True)
    denom = jnp.maximum(lengths, 1.0)
    clip_feat = jnp.concatenate([
        jnp.concatenate([jnp.sum(hfm[0:_T], axis=0, keepdims=True),
                         jnp.sum(hbm[0:_T], axis=0, keepdims=True)], axis=1),
        jnp.concatenate([jnp.sum(hfm[_T:2 * _T], axis=0, keepdims=True),
                         jnp.sum(hbm[_T:2 * _T], axis=0, keepdims=True)],
                        axis=1)], axis=0) / denom
    hdd = jnp.maximum(_dot_t(clip_feat, ptr_w1[...]) + ptr_b1[...], 0.0)
    ptr = _dot_t(hdd, ptr_w2[...]) + ptr_b2[...]
    mu_hat = _sigmoid(ptr[:, 0:1])
    log_sigma = jnp.clip(ptr[:, 1:2], -4.0, 4.0)
    sigma = jnp.log(1.0 + jnp.exp(log_sigma)) + 1e-4
    mh_o[...] = mu_hat
    sg_o[...] = sigma

    t_idx = lax.broadcasted_iota(jnp.int32, (_B, _T), 1).astype(jnp.float32)
    denom_t = jnp.maximum(lengths - 1.0, 1.0)
    t_norm = t_idx / denom_t
    gauss = jnp.exp(-0.5 * ((t_norm - mu_hat) / sigma) ** 2) * mask_bt[...]
    alpha_t = gauss / (jnp.sum(gauss, axis=1, keepdims=True) + 1e-8)
    at_o[...] = alpha_t

    tf = jnp.concatenate([
        jnp.concatenate([
            jnp.dot(alpha_t[0:1], hf[0:_T, :],
                    preferred_element_type=jnp.float32),
            jnp.dot(alpha_t[0:1], hb[0:_T, :],
                    preferred_element_type=jnp.float32)], axis=1),
        jnp.concatenate([
            jnp.dot(alpha_t[1:2], hf[_T:2 * _T, :],
                    preferred_element_type=jnp.float32),
            jnp.dot(alpha_t[1:2], hb[_T:2 * _T, :],
                    preferred_element_type=jnp.float32)], axis=1)], axis=0)
    mu_o[...] = _dot_t(tf, mu_w[...]) + mu_b[...]
    lv_o[...] = _dot_t(tf, lv_w[...]) + lv_b[...]


def _encoder_tc(args):
    out_shape = [
        jax.ShapeDtypeStruct((_B, 64), jnp.float32),
        jax.ShapeDtypeStruct((_B, 64), jnp.float32),
        jax.ShapeDtypeStruct((_B, _T), jnp.float32),
        jax.ShapeDtypeStruct((_B, 1), jnp.float32),
        jax.ShapeDtypeStruct((_B, 1), jnp.float32),
    ]
    n_vmem = len(args) - 2
    return pl.pallas_call(
        _tc_body,
        out_shape=out_shape,
        in_specs=[pl.BlockSpec(memory_space=pltpu.MemorySpace.HBM)] * 2
        + [pl.BlockSpec(memory_space=pltpu.MemorySpace.VMEM)] * n_vmem,
        scratch_shapes=[
            pltpu.VMEM((_NP, _W), jnp.bfloat16),
            pltpu.VMEM((_NP, _W), jnp.bfloat16),
            pltpu.VMEM((_G, 8 * _RNN_H), jnp.float32),
            pltpu.VMEM((_G, _RNN_H), jnp.float32),
            pltpu.VMEM((_G, _RNN_H), jnp.float32),
            pltpu.VMEM((2 * _NP, _NP), jnp.float32),
            pltpu.VMEM((2, _G // 2, _N, _F), jnp.float32),
            pltpu.SemaphoreType.DMA,
            pltpu.SemaphoreType.DMA((2,)),
        ],
    )(*args)


def kernel(x, edge_index, mask, params):
    cmat = _build_counts(edge_index[0], edge_index[1])
    p = params
    args = (
        x.reshape(_G, _N, _F), cmat,
        p['gnn_W'][0], p['gnn_W'][1], p['gnn_W'][2],
        p['gnn_b'][0][None, :], p['gnn_b'][1][None, :], p['gnn_b'][2][None, :],
        p['attn_W'], p['attn_b'][None, :],
        mask.reshape(_B, _T), mask.reshape(_G, 1),
        p['Wih_f'], p['Whh_f'], p['bih_f'][None, :], p['bhh_f'][None, :],
        p['Wih_b'], p['Whh_b'], p['bih_b'][None, :], p['bhh_b'][None, :],
        p['ptr_W1'], p['ptr_b1'][None, :], p['ptr_W2'], p['ptr_b2'][None, :],
        p['mu_W'], p['mu_b'][None, :], p['lv_W'], p['lv_b'][None, :],
    )
    mu, logvar, alpha_t, mu_hat, sigma = _encoder_tc(args)
    return mu, logvar, alpha_t, mu_hat.reshape(_B), sigma.reshape(_B)

# --- scband reference (transcript-rebuilt; emitter-appended) ---
"""Pipeline reference for scband-vanilla-encoder-26912265077480 (READ-ONLY COPY).

The authoritative reference and input builder live on the scoring server;
editing this copy changes nothing except your own understanding.
"""

import jax, jax.numpy as jnp
import numpy as np

B, T, N, F_IN = 2, 16, 1000, 128
HID, RNN_H, LATENT, E_PER = 128, 256, 64, 16000


def glorot(k, shape):
    return jax.random.normal(k, shape, dtype=jnp.float32) * 0.05


def setup_inputs(seed: int = 0):
    key = jax.random.key(seed)
    ks = jax.random.split(key, 20)
    x = jax.random.normal(ks[0], (B, T, N, F_IN), dtype=jnp.float32)
    edge_index = jax.random.randint(ks[1], (2, E_PER), 0, N, dtype=jnp.int32)
    mask = jnp.ones((B, T, 1), dtype=jnp.float32)
    params = {
        'gnn_W': [glorot(ks[2], (F_IN, HID)), glorot(ks[3], (HID, HID)), glorot(ks[4], (HID, HID))],
        'gnn_b': [jnp.zeros((HID,), jnp.float32) for _ in range(3)],
        'attn_W': glorot(ks[5], (HID, 1)),
        'attn_b': jnp.zeros((1,), jnp.float32),
        'Wih_f': glorot(ks[6], (4 * RNN_H, HID)),
        'Whh_f': glorot(ks[7], (4 * RNN_H, RNN_H)),
        'bih_f': jnp.zeros((4 * RNN_H,), jnp.float32),
        'bhh_f': jnp.zeros((4 * RNN_H,), jnp.float32),
        'Wih_b': glorot(ks[8], (4 * RNN_H, HID)),
        'Whh_b': glorot(ks[9], (4 * RNN_H, RNN_H)),
        'bih_b': jnp.zeros((4 * RNN_H,), jnp.float32),
        'bhh_b': jnp.zeros((4 * RNN_H,), jnp.float32),
        'ptr_W1': glorot(ks[10], (64, 2 * RNN_H)),
        'ptr_b1': jnp.zeros((64,), jnp.float32),
        'ptr_W2': glorot(ks[11], (2, 64)),
        'ptr_b2': jnp.zeros((2,), jnp.float32),
        'mu_W': jnp.zeros((LATENT, 2 * RNN_H), jnp.float32),
        'mu_b': jnp.zeros((LATENT,), jnp.float32),
        'lv_W': jnp.zeros((LATENT, 2 * RNN_H), jnp.float32),
        'lv_b': jnp.zeros((LATENT,), jnp.float32),
    }
    return {'x': x, 'edge_index': edge_index, 'mask': mask, 'params': params}


def gcn_conv(x, src, dst, W, b, n):
    sl = jnp.arange(n, dtype=src.dtype)
    s = jnp.concatenate([src, sl])
    d = jnp.concatenate([dst, sl])
    deg = jnp.zeros((n,), jnp.float32).at[d].add(1.0)
    dis = deg ** -0.5
    norm = dis[s] * dis[d]
    h = x @ W
    out = jnp.zeros((n, W.shape[1]), jnp.float32).at[d].add(h[s] * norm[:, None])
    return out + b


def segment_softmax(logits, seg, num_seg):
    m = jnp.full((num_seg,), -jnp.inf, jnp.float32).at[seg].max(logits)
    e = jnp.exp(logits - m[seg])
    s = jnp.zeros((num_seg,), jnp.float32).at[seg].add(e)
    return e / (s[seg] + 1e-16)


def lstm_dir(seq, Wih, Whh, bih, bhh):
    Bn = seq.shape[0]
    H = Whh.shape[1]
    def step(carry, xt):
        h, c = carry
        g = xt @ Wih.T + h @ Whh.T + bih + bhh
        i, f, gg, o = jnp.split(g, 4, axis=-1)
        i = jax.nn.sigmoid(i)
        f = jax.nn.sigmoid(f)
        gg = jnp.tanh(gg)
        o = jax.nn.sigmoid(o)
        c2 = f * c + i * gg
        h2 = o * jnp.tanh(c2)
        return (h2, c2), h2
    init = (jnp.zeros((Bn, H), jnp.float32), jnp.zeros((Bn, H), jnp.float32))
    _, hs = jax.lax.scan(step, init, jnp.swapaxes(seq, 0, 1))
    return jnp.swapaxes(hs, 0, 1)


def forward(x, edge_index, mask, params):
    num_graphs = B * T
    n_total = num_graphs * N
    off = jnp.repeat(jnp.arange(num_graphs, dtype=edge_index.dtype), E_PER) * N
    src = jnp.tile(edge_index[0], num_graphs) + off
    dst = jnp.tile(edge_index[1], num_graphs) + off
    batch_idx = jnp.repeat(jnp.arange(num_graphs), N)
    xt = x.reshape(n_total, F_IN)
    for W, b in zip(params['gnn_W'], params['gnn_b']):
        xt = jax.nn.relu(gcn_conv(xt, src, dst, W, b, n_total))
    logits = (xt @ params['attn_W'] + params['attn_b']).squeeze(-1)
    alpha = segment_softmax(logits, batch_idx, num_graphs)
    pooled = jnp.zeros((num_graphs, HID), jnp.float32).at[batch_idx].add(xt * alpha[:, None])
    graph_embs = pooled.reshape(B, T, HID) * mask
    lengths = jnp.clip(mask.squeeze(-1).sum(axis=1), 1.0, None)
    h_f = lstm_dir(graph_embs, params['Wih_f'], params['Whh_f'], params['bih_f'], params['bhh_f'])
    h_b = jnp.flip(lstm_dir(jnp.flip(graph_embs, 1), params['Wih_b'], params['Whh_b'], params['bih_b'], params['bhh_b']), 1)
    rnn_out = jnp.concatenate([h_f, h_b], axis=-1)
    denom = jnp.clip(lengths, 1.0, None)[:, None]
    clip_feat = (rnn_out * mask).sum(axis=1) / denom
    hdd = jax.nn.relu(clip_feat @ params['ptr_W1'].T + params['ptr_b1'])
    ptr = hdd @ params['ptr_W2'].T + params['ptr_b2']
    mu_hat = jax.nn.sigmoid(ptr[:, 0])
    log_sigma = jnp.clip(ptr[:, 1], -4.0, 4.0)
    sigma = jax.nn.softplus(log_sigma) + 1e-4
    t_idx = jnp.broadcast_to(jnp.arange(T, dtype=jnp.float32)[None, :], (B, T))
    denom_t = jnp.clip(lengths - 1.0, 1.0, None)[:, None]
    t_norm = t_idx / denom_t
    gauss = jnp.exp(-0.5 * ((t_norm - mu_hat[:, None]) / sigma[:, None]) ** 2)
    gauss = gauss * mask.squeeze(-1)
    alpha_time = gauss / (gauss.sum(axis=1, keepdims=True) + 1e-8)
    temporal_feat = jnp.einsum('bt,btd->bd', alpha_time, rnn_out)
    mu = temporal_feat @ params['mu_W'].T + params['mu_b']
    logvar = temporal_feat @ params['lv_W'].T + params['lv_b']
    return mu, logvar, alpha_time, mu_hat, sigma


def reference(x, edge_index, mask, params):
    return forward(x, edge_index, mask, params)

if __name__ == "__main__":
    import jax
    _d = setup_inputs()
    print(jax.jit(kernel)(*tuple(_d.values())))

</pallas_src>

<mosaic_0001>
#map = affine_map<(d0, d1) -> (0)>
#map1 = affine_map<(d0, d1) -> (0, 0)>
module attributes {stable_mosaic.version = 14 : i64} {
  func.func @_sc_body(%arg0: i32, %arg1: i32, %arg2: memref<16000xi32, #tpu.memory_space<hbm>>, %arg3: memref<16000xi32, #tpu.memory_space<hbm>>, %arg4: memref<2048x1024xf32, #tpu.memory_space<hbm>>, %arg5: memref<8000xi32, #tpu.memory_space<vmem>>, %arg6: memref<8000xi32, #tpu.memory_space<vmem>>, %arg7: memref<64x1024xf32, #tpu.memory_space<vmem>>) attributes {dimension_semantics = [#tpu.dimension_semantics<core_parallel>, #tpu.dimension_semantics<subcore_parallel>], iteration_bounds = array<i64: 2, 16>, scalar_prefetch = 0 : i64, scratch_operands = 3 : i64, tpu.core_type = #tpu.core_type<sc_vector_subcore>, window_params = [{transform_indices = #map}, {transform_indices = #map}, {transform_indices = #map1}]} {
    %mul3A = arith.constant 64 : i32
    %mul3A_0 = arith.muli %arg1, %mul3A : i32
    %mul3A_1 = arith.constant 8000 : i32
    %mul3A_2 = arith.muli %arg0, %mul3A_1 : i32
    "tpu.region"() ({
      %run_scoped3A = tpu.sem_alloc : memref<!tpu.dma_semaphore, #tpu.memory_space<semaphore_mem>>
      %dma_start3A = tpu.memref_slice %arg2[%mul3A_2] : memref<16000xi32, #tpu.memory_space<hbm>> -> memref<8000xi32, #tpu.memory_space<hbm>>
      %dma_start3A_23 = tpu.memref_slice %arg2[%mul3A_2] : memref<16000xi32, #tpu.memory_space<hbm>> -> memref<8000xi32, #tpu.memory_space<hbm>>
      tpu.enqueue_dma source(%dma_start3A_23 : memref<8000xi32, #tpu.memory_space<hbm>>) target(%arg5 : memref<8000xi32, #tpu.memory_space<vmem>>) target_semaphore(%run_scoped3A : memref<!tpu.dma_semaphore, #tpu.memory_space<semaphore_mem>>)
      %dma_wait3A = tpu.memref_slice %arg2[%mul3A_2] : memref<16000xi32, #tpu.memory_space<hbm>> -> memref<8000xi32, #tpu.memory_space<hbm>>
      %dma_wait3A_24 = tpu.memref_slice %arg2[%mul3A_2] : memref<16000xi32, #tpu.memory_space<hbm>> -> memref<8000xi32, #tpu.memory_space<hbm>>
      tpu.wait_dma2 semaphore(%run_scoped3A : memref<!tpu.dma_semaphore, #tpu.memory_space<semaphore_mem>>) src(%dma_wait3A_24 : memref<8000xi32, #tpu.memory_space<hbm>>) dst(%arg5 : memref<8000xi32, #tpu.memory_space<vmem>>)
      tpu.yield
    }) : () -> ()
    %mul3A_3 = arith.constant 8000 : i32
    %mul3A_4 = arith.muli %arg0, %mul3A_3 : i32
    "tpu.region"() ({
      %run_scoped3A = tpu.sem_alloc : memref<!tpu.dma_semaphore, #tpu.memory_space<semaphore_mem>>
      %dma_start3A = tpu.memref_slice %arg3[%mul3A_4] : memref<16000xi32, #tpu.memory_space<hbm>> -> memref<8000xi32, #tpu.memory_space<hbm>>
      %dma_start3A_23 = tpu.memref_slice %arg3[%mul3A_4] : memref<16000xi32, #tpu.memory_space<hbm>> -> memref<8000xi32, #tpu.memory_space<hbm>>
      tpu.enqueue_dma source(%dma_start3A_23 : memref<8000xi32, #tpu.memory_space<hbm>>) target(%arg6 : memref<8000xi32, #tpu.memory_space<vmem>>) target_semaphore(%run_scoped3A : memref<!tpu.dma_semaphore, #tpu.memory_space<semaphore_mem>>)
      %dma_wait3A = tpu.memref_slice %arg3[%mul3A_4] : memref<16000xi32, #tpu.memory_space<hbm>> -> memref<8000xi32, #tpu.memory_space<hbm>>
      %dma_wait3A_24 = tpu.memref_slice %arg3[%mul3A_4] : memref<16000xi32, #tpu.memory_space<hbm>> -> memref<8000xi32, #tpu.memory_space<hbm>>
      tpu.wait_dma2 semaphore(%run_scoped3A : memref<!tpu.dma_semaphore, #tpu.memory_space<semaphore_mem>>) src(%dma_wait3A_24 : memref<8000xi32, #tpu.memory_space<hbm>>) dst(%arg6 : memref<8000xi32, #tpu.memory_space<vmem>>)
      tpu.yield
    }) : () -> ()
    %iota3A = tpu.iota {dimensions = array<i32: 0>} : vector<16xi32>
    %broadcast_in_dim3A = arith.constant 1.000000e+00 : f32
    %broadcast_in_dim3A_5 = vector.broadcast %broadcast_in_dim3A : f32 to vector<16xf32>
    %broadcast_in_dim3A_6 = arith.constant 0.000000e+00 : f32
    %broadcast_in_dim3A_7 = vector.broadcast %broadcast_in_dim3A_6 : f32 to vector<16xf32>
    %scan3A = arith.constant 0 : i32
    %scan3A_8 = arith.constant 0 : i32
    %scan3A_9 = arith.constant 64 : i32
    %scan3A_10 = arith.addi %scan3A_8, %scan3A_9 : i32
    %scan3A_11 = arith.constant 1 : i32
    scf.for %scan3A_23 = %scan3A_8 to %scan3A_10 step %scan3A_11  : i32 {
      %swap3A = arith.index_cast %scan3A_23 : i32 to index
      %swap3A_24 = arith.constant 0 : index
      %swap3A_25 = tpu.vector_load %arg7[%swap3A, %swap3A_24] {strides = array<i32>} : memref<64x1024xf32, #tpu.memory_space<vmem>>, vector<16xf32>,
      tpu.vector_store %arg7[%swap3A, %swap3A_24], %broadcast_in_dim3A_7 {strides = array<i32>} : memref<64x1024xf32, #tpu.memory_space<vmem>>, vector<16xf32>,
      %swap3A_26 = arith.index_cast %scan3A_23 : i32 to index
      %swap3A_27 = arith.constant 16 : index
      %swap3A_28 = tpu.vector_load %arg7[%swap3A_26, %swap3A_27] {strides = array<i32>} : memref<64x1024xf32, #tpu.memory_space<vmem>>, vector<16xf32>,
      tpu.vector_store %arg7[%swap3A_26, %swap3A_27], %broadcast_in_dim3A_7 {strides = array<i32>} : memref<64x1024xf32, #tpu.memory_space<vmem>>, vector<16xf32>,
      %swap3A_29 = arith.index_cast %scan3A_23 : i32 to index
      %swap3A_30 = arith.constant 32 : index
      %swap3A_31 = tpu.vector_load %arg7[%swap3A_29, %swap3A_30] {strides = array<i32>} : memref<64x1024xf32, #tpu.memory_space<vmem>>, vector<16xf32>,
      tpu.vector_store %arg7[%swap3A_29, %swap3A_30], %broadcast_in_dim3A_7 {strides = array<i32>} : memref<64x1024xf32, #tpu.memory_space<vmem>>, vector<16xf32>,
      %swap3A_32 = arith.index_cast %scan3A_23 : i32 to index
      %swap3A_33 = arith.constant 48 : index
      %swap3A_34 = tpu.vector_load %arg7[%swap3A_32, %swap3A_33] {strides = array<i32>} : memref<64x1024xf32, #tpu.memory_space<vmem>>, vector<16xf32>,
      tpu.vector_store %arg7[%swap3A_32, %swap3A_33], %broadcast_in_dim3A_7 {strides = array<i32>} : memref<64x1024xf32, #tpu.memory_space<vmem>>, vector<16xf32>,
      %swap3A_35 = arith.index_cast %scan3A_23 : i32 to index
      %swap3A_36 = arith.constant 64 : index
      %swap3A_37 = tpu.vector_load %arg7[%swap3A_35, %swap3A_36] {strides = array<i32>} : memref<64x1024xf32, #tpu.memory_space<vmem>>, vector<16xf32>,
      tpu.vector_store %arg7[%swap3A_35, %swap3A_36], %broadcast_in_dim3A_7 {strides = array<i32>} : memref<64x1024xf32, #tpu.memory_space<vmem>>, vector<16xf32>,
      %swap3A_38 = arith.index_cast %scan3A_23 : i32 to index
      %swap3A_39 = arith.constant 80 : index
      %swap3A_40 = tpu.vector_load %arg7[%swap3A_38, %swap3A_39] {strides = array<i32>} : memref<64x1024xf32, #tpu.memory_space<vmem>>, vector<16xf32>,
      tpu.vector_store %arg7[%swap3A_38, %swap3A_39], %broadcast_in_dim3A_7 {strides = array<i32>} : memref<64x1024xf32, #tpu.memory_space<vmem>>, vector<16xf32>,
      %swap3A_41 = arith.index_cast %scan3A_23 : i32 to index
      %swap3A_42 = arith.constant 96 : index
      %swap3A_43 = tpu.vector_load %arg7[%swap3A_41, %swap3A_42] {strides = array<i32>} : memref<64x1024xf32, #tpu.memory_space<vmem>>, vector<16xf32>,
      tpu.vector_store %arg7[%swap3A_41, %swap3A_42], %broadcast_in_dim3A_7 {strides = array<i32>} : memref<64x1024xf32, #tpu.memory_space<vmem>>, vector<16xf32>,
      %swap3A_44 = arith.index_cast %scan3A_23 : i32 to index
      %swap3A_45 = arith.constant 112 : index
      %swap3A_46 = tpu.vector_load %arg7[%swap3A_44, %swap3A_45] {strides = array<i32>} : memref<64x1024xf32, #tpu.memory_space<vmem>>, vector<16xf32>,
      tpu.vector_store %arg7[%swap3A_44, %swap3A_45], %broadcast_in_dim3A_7 {strides = array<i32>} : memref<64x1024xf32, #tpu.memory_space<vmem>>, vector<16xf32>,
      %swap3A_47 = arith.index_cast %scan3A_23 : i32 to index
      %swap3A_48 = arith.constant 128 : index
      %swap3A_49 = tpu.vector_load %arg7[%swap3A_47, %swap3A_48] {strides = array<i32>} : memref<64x1024xf32, #tpu.memory_space<vmem>>, vector<16xf32>,
      tpu.vector_store %arg7[%swap3A_47, %swap3A_48], %broadcast_in_dim3A_7 {strides = array<i32>} : memref<64x1024xf32, #tpu.memory_space<vmem>>, vector<16xf32>,
      %swap3A_50 = arith.index_cast %scan3A_23 : i32 to index
      %swap3A_51 = arith.constant 144 : index
      %swap3A_52 = tpu.vector_load %arg7[%swap3A_50, %swap3A_51] {strides = array<i32>} : memref<64x1024xf32, #tpu.memory_space<vmem>>, vector<16xf32>,
      tpu.vector_store %arg7[%swap3A_50, %swap3A_51], %broadcast_in_dim3A_7 {strides = array<i32>} : memref<64x1024xf32, #tpu.memory_space<vmem>>, vector<16xf32>,
      %swap3A_53 = arith.index_cast %scan3A_23 : i32 to index
      %swap3A_54 = arith.constant 160 : index
      %swap3A_55 = tpu.vector_load %arg7[%swap3A_53, %swap3A_54] {strides = array<i32>} : memref<64x1024xf32, #tpu.memory_space<vmem>>, vector<16xf32>,
      tpu.vector_store %arg7[%swap3A_53, %swap3A_54], %broadcast_in_dim3A_7 {strides = array<i32>} : memref<64x1024xf32, #tpu.memory_space<vmem>>, vector<16xf32>,
      %swap3A_56 = arith.index_cast %scan3A_23 : i32 to index
      %swap3A_57 = arith.constant 176 : index
      %swap3A_58 = tpu.vector_load %arg7[%swap3A_56, %swap3A_57] {strides = array<i32>} : memref<64x1024xf32, #tpu.memory_space<vmem>>, vector<16xf32>,
      tpu.vector_store %arg7[%swap3A_56, %swap3A_57], %broadcast_in_dim3A_7 {strides = array<i32>} : memref<64x1024xf32, #tpu.memory_space<vmem>>, vector<16xf32>,
      %swap3A_59 = arith.index_cast %scan3A_23 : i32 to index
      %swap3A_60 = arith.constant 192 : index
      %swap3A_61 = tpu.vector_load %arg7[%swap3A_59, %swap3A_60] {strides = array<i32>} : memref<64x1024xf32, #tpu.memory_space<vmem>>, vector<16xf32>,
      tpu.vector_store %arg7[%swap3A_59, %swap3A_60], %broadcast_in_dim3A_7 {strides = array<i32>} : memref<64x1024xf32, #tpu.memory_space<vmem>>, vector<16xf32>,
      %swap3A_62 = arith.index_cast %scan3A_23 : i32 to index
      %swap3A_63 = arith.constant 208 : index
      %swap3A_64 = tpu.vector_load %arg7[%swap3A_62, %swap3A_63] {strides = array<i32>} : memref<64x1024xf32, #tpu.memory_space<vmem>>, vector<16xf32>,
      tpu.vector_store %arg7[%swap3A_62, %swap3A_63], %broadcast_in_dim3A_7 {strides = array<i32>} : memref<64x1024xf32, #tpu.memory_space<vmem>>, vector<16xf32>,
      %swap3A_65 = arith.index_cast %scan3A_23 : i32 to index
      %swap3A_66 = arith.constant 224 : index
      %swap3A_67 = tpu.vector_load %arg7[%swap3A_65, %swap3A_66] {strides = array<i32>} : memref<64x1024xf32, #tpu.memory_space<vmem>>, vector<16xf32>,
      tpu.vector_store %arg7[%swap3A_65, %swap3A_66], %broadcast_in_dim3A_7 {strides = array<i32>} : memref<64x1024xf32, #tpu.memory_space<vmem>>, vector<16xf32>,
      %swap3A_68 = arith.index_cast %scan3A_23 : i32 to index
      %swap3A_69 = arith.constant 240 : index
      %swap3A_70 = tpu.vector_load %arg7[%swap3A_68, %swap3A_69] {strides = array<i32>} : memref<64x1024xf32, #tpu.memory_space<vmem>>, vector<16xf32>,
      tpu.vector_store %arg7[%swap3A_68, %swap3A_69], %broadcast_in_dim3A_7 {strides = array<i32>} : memref<64x1024xf32, #tpu.memory_space<vmem>>, vector<16xf32>,
      %swap3A_71 = arith.index_cast %scan3A_23 : i32 to index
      %swap3A_72 = arith.constant 256 : index
      %swap3A_73 = tpu.vector_load %arg7[%swap3A_71, %swap3A_72] {strides = array<i32>} : memref<64x1024xf32, #tpu.memory_space<vmem>>, vector<16xf32>,
      tpu.vector_store %arg7[%swap3A_71, %swap3A_72], %broadcast_in_dim3A_7 {strides = array<i32>} : memref<64x1024xf32, #tpu.memory_space<vmem>>, vector<16xf32>,
      %swap3A_74 = arith.index_cast %scan3A_23 : i32 to index
      %swap3A_75 = arith.constant 272 : index
      %swap3A_76 = tpu.vector_load %arg7[%swap3A_74, %swap3A_75] {strides = array<i32>} : memref<64x1024xf32, #tpu.memory_space<vmem>>, vector<16xf32>,
      tpu.vector_store %arg7[%swap3A_74, %swap3A_75], %broadcast_in_dim3A_7 {strides = array<i32>} : memref<64x1024xf32, #tpu.memory_space<vmem>>, vector<16xf32>,
      %swap3A_77 = arith.index_cast %scan3A_23 : i32 to index
      %swap3A_78 = arith.constant 288 : index
      %swap3A_79 = tpu.vector_load %arg7[%swap3A_77, %swap3A_78] {strides = array<i32>} : memref<64x1024xf32, #tpu.memory_space<vmem>>, vector<16xf32>,
      tpu.vector_store %arg7[%swap3A_77, %swap3A_78], %broadcast_in_dim3A_7 {strides = array<i32>} : memref<64x1024xf32, #tpu.memory_space<vmem>>, vector<16xf32>,
      %swap3A_80 = arith.index_cast %scan3A_23 : i32 to index
      %swap3A_81 = arith.constant 304 : index
      %swap3A_82 = tpu.vector_load %arg7[%swap3A_80, %swap3A_81] {strides = array<i32>} : memref<64x1024xf32, #tpu.memory_space<vmem>>, vector<16xf32>,
      tpu.vector_store %arg7[%swap3A_80, %swap3A_81], %broadcast_in_dim3A_7 {strides = array<i32>} : memref<64x1024xf32, #tpu.memory_space<vmem>>, vector<16xf32>,
      %swap3A_83 = arith.index_cast %scan3A_23 : i32 to index
      %swap3A_84 = arith.constant 320 : index
      %swap3A_85 = tpu.vector_load %arg7[%swap3A_83, %swap3A_84] {strides = array<i32>} : memref<64x1024xf32, #tpu.memory_space<vmem>>, vector<16xf32>,
      tpu.vector_store %arg7[%swap3A_83, %swap3A_84], %broadcast_in_dim3A_7 {strides = array<i32>} : memref<64x1024xf32, #tpu.memory_space<vmem>>, vector<16xf32>,
      %swap3A_86 = arith.index_cast %scan3A_23 : i32 to index
      %swap3A_87 = arith.constant 336 : index
      %swap3A_88 = tpu.vector_load %arg7[%swap3A_86, %swap3A_87] {strides = array<i32>} : memref<64x1024xf32, #tpu.memory_space<vmem>>, vector<16xf32>,
      tpu.vector_store %arg7[%swap3A_86, %swap3A_87], %broadcast_in_dim3A_7 {strides = array<i32>} : memref<64x1024xf32, #tpu.memory_space<vmem>>, vector<16xf32>,
      %swap3A_89 = arith.index_cast %scan3A_23 : i32 to index
      %swap3A_90 = arith.constant 352 : index
      %swap3A_91 = tpu.vector_load %arg7[%swap3A_89, %swap3A_90] {strides = array<i32>} : memref<64x1024xf32, #tpu.memory_space<vmem>>, vector<16xf32>,
      tpu.vector_store %arg7[%swap3A_89, %swap3A_90], %broadcast_in_dim3A_7 {strides = array<i32>} : memref<64x1024xf32, #tpu.memory_space<vmem>>, vector<16xf32>,
      %swap3A_92 = arith.index_cast %scan3A_23 : i32 to index
      %swap3A_93 = arith.constant 368 : index
      %swap3A_94 = tpu.vector_load %arg7[%swap3A_92, %swap3A_93] {strides = array<i32>} : memref<64x1024xf32, #tpu.memory_space<vmem>>, vector<16xf32>,
      tpu.vector_store %arg7[%swap3A_92, %swap3A_93], %broadcast_in_dim3A_7 {strides = array<i32>} : memref<64x1024xf32, #tpu.memory_space<vmem>>, vector<16xf32>,
      %swap3A_95 = arith.index_cast %scan3A_23 : i32 to index
      %swap3A_96 = arith.constant 384 : index
      %swap3A_97 = tpu.vector_load %arg7[%swap3A_95, %swap3A_96] {strides = array<i32>} : memref<64x1024xf32, #tpu.memory_space<vmem>>, vector<16xf32>,
      tpu.vector_store %arg7[%swap3A_95, %swap3A_96], %broadcast_in_dim3A_7 {strides = array<i32>} : memref<64x1024xf32, #tpu.memory_space<vmem>>, vector<16xf32>,
      %swap3A_98 = arith.index_cast %scan3A_23 : i32 to index
      %swap3A_99 = arith.constant 400 : index
      %swap3A_100 = tpu.vector_load %arg7[%swap3A_98, %swap3A_99] {strides = array<i32>} : memref<64x1024xf32, #tpu.memory_space<vmem>>, vector<16xf32>,
      tpu.vector_store %arg7[%swap3A_98, %swap3A_99], %broadcast_in_dim3A_7 {strides = array<i32>} : memref<64x1024xf32, #tpu.memory_space<vmem>>, vector<16xf32>,
      %swap3A_101 = arith.index_cast %scan3A_23 : i32 to index
      %swap3A_102 = arith.constant 416 : index
      %swap3A_103 = tpu.vector_load %arg7[%swap3A_101, %swap3A_102] {strides = array<i32>} : memref<64x1024xf32, #tpu.memory_space<vmem>>, vector<16xf32>,
      tpu.vector_store %arg7[%swap3A_101, %swap3A_102], %broadcast_in_dim3A_7 {strides = array<i32>} : memref<64x1024xf32, #tpu.memory_space<vmem>>, vector<16xf32>,
      %swap3A_104 = arith.index_cast %scan3A_23 : i32 to index
      %swap3A_105 = arith.constant 432 : index
      %swap3A_106 = tpu.vector_load %arg7[%swap3A_104, %swap3A_105] {strides = array<i32>} : memref<64x1024xf32, #tpu.memory_space<vmem>>, vector<16xf32>,
      tpu.vector_store %arg7[%swap3A_104, %swap3A_105], %broadcast_in_dim3A_7 {strides = array<i32>} : memref<64x1024xf32, #tpu.memory_space<vmem>>, vector<16xf32>,
      %swap3A_107 = arith.index_cast %scan3A_23 : i32 to index
      %swap3A_108 = arith.constant 448 : index
      %swap3A_109 = tpu.vector_load %arg7[%swap3A_107, %swap3A_108] {strides = array<i32>} : memref<64x1024xf32, #tpu.memory_space<vmem>>, vector<16xf32>,
      tpu.vector_store %arg7[%swap3A_107, %swap3A_108], %broadcast_in_dim3A_7 {strides = array<i32>} : memref<64x1024xf32, #tpu.memory_space<vmem>>, vector<16xf32>,
      %swap3A_110 = arith.index_cast %scan3A_23 : i32 to index
      %swap3A_111 = arith.constant 464 : index
      %swap3A_112 = tpu.vector_load %arg7[%swap3A_110, %swap3A_111] {strides = array<i32>} : memref<64x1024xf32, #tpu.memory_space<vmem>>, vector<16xf32>,
      tpu.vector_store %arg7[%swap3A_110, %swap3A_111], %broadcast_in_dim3A_7 {strides = array<i32>} : memref<64x1024xf32, #tpu.memory_space<vmem>>, vector<16xf32>,
      %swap3A_113 = arith.index_cast %scan3A_23 : i32 to index
      %swap3A_114 = arith.constant 480 : index
      %swap3A_115 = tpu.vector_load %arg7[%swap3A_113, %swap3A_114] {strides = array<i32>} : memref<64x1024xf32, #tpu.memory_space<vmem>>, vector<16xf32>,
      tpu.vector_store %arg7[%swap3A_113, %swap3A_114], %broadcast_in_dim3A_7 {strides = array<i32>} : memref<64x1024xf32, #tpu.memory_space<vmem>>, vector<16xf32>,
      %swap3A_116 = arith.index_cast %scan3A_23 : i32 to index
      %swap3A_117 = arith.constant 496 : index
      %swap3A_118 = tpu.vector_load %arg7[%swap3A_116, %swap3A_117] {strides = array<i32>} : memref<64x1024xf32, #tpu.memory_space<vmem>>, vector<16xf32>,
      tpu.vector_store %arg7[%swap3A_116, %swap3A_117], %broadcast_in_dim3A_7 {strides = array<i32>} : memref<64x1024xf32, #tpu.memory_space<vmem>>, vector<16xf32>,
      %swap3A_119 = arith.index_cast %scan3A_23 : i32 to index
      %swap3A_120 = arith.constant 512 : index
      %swap3A_121 = tpu.vector_load %arg7[%swap3A_119, %swap3A_120] {strides = array<i32>} : memref<64x1024xf32, #tpu.memory_space<vmem>>, vector<16xf32>,
      tpu.vector_store %arg7[%swap3A_119, %swap3A_120], %broadcast_in_dim3A_7 {strides = array<i32>} : memref<64x1024xf32, #tpu.memory_space<vmem>>, vector<16xf32>,
      %swap3A_122 = arith.index_cast %scan3A_23 : i32 to index
      %swap3A_123 = arith.constant 528 : index
      %swap3A_124 = tpu.vector_load %arg7[%swap3A_122, %swap3A_123] {strides = array<i32>} : memref<64x1024xf32, #tpu.memory_space<vmem>>, vector<16xf32>,
      tpu.vector_store %arg7[%swap3A_122, %swap3A_123], %broadcast_in_dim3A_7 {strides = array<i32>} : memref<64x1024xf32, #tpu.memory_space<vmem>>, vector<16xf32>,
      %swap3A_125 = arith.index_cast %scan3A_23 : i32 to index
      %swap3A_126 = arith.constant 544 : index
      %swap3A_127 = tpu.vector_load %arg7[%swap3A_125, %swap3A_126] {strides = array<i32>} : memref<64x1024xf32, #tpu.memory_space<vmem>>, vector<16xf32>,
      tpu.vector_store %arg7[%swap3A_125, %swap3A_126], %broadcast_in_dim3A_7 {strides = array<i32>} : memref<64x1024xf32, #tpu.memory_space<vmem>>, vector<16xf32>,
      %swap3A_128 = arith.index_cast %scan3A_23 : i32 to index
      %swap3A_129 = arith.constant 560 : index
      %swap3A_130 = tpu.vector_load %arg7[%swap3A_128, %swap3A_129] {strides = array<i32>} : memref<64x1024xf32, #tpu.memory_space<vmem>>, vector<16xf32>,
      tpu.vector_store %arg7[%swap3A_128, %swap3A_129], %broadcast_in_dim3A_7 {strides = array<i32>} : memref<64x1024xf32, #tpu.memory_space<vmem>>, vector<16xf32>,
      %swap3A_131 = arith.index_cast %scan3A_23 : i32 to index
      %swap3A_132 = arith.constant 576 : index
      %swap3A_133 = tpu.vector_load %arg7[%swap3A_131, %swap3A_132] {strides = array<i32>} : memref<64x1024xf32, #tpu.memory_space<vmem>>, vector<16xf32>,
      tpu.vector_store %arg7[%swap3A_131, %swap3A_132], %broadcast_in_dim3A_7 {strides = array<i32>} : memref<64x1024xf32, #tpu.memory_space<vmem>>, vector<16xf32>,
      %swap3A_134 = arith.index_cast %scan3A_23 : i32 to index
      %swap3A_135 = arith.constant 592 : index
      %swap3A_136 = tpu.vector_load %arg7[%swap3A_134, %swap3A_135] {strides = array<i32>} : memref<64x1024xf32, #tpu.memory_space<vmem>>, vector<16xf32>,
      tpu.vector_store %arg7[%swap3A_134, %swap3A_135], %broadcast_in_dim3A_7 {strides = array<i32>} : memref<64x1024xf32, #tpu.memory_space<vmem>>, vector<16xf32>,
      %swap3A_137 = arith.index_cast %scan3A_23 : i32 to index
      %swap3A_138 = arith.constant 608 : index
      %swap3A_139 = tpu.vector_load %arg7[%swap3A_137, %swap3A_138] {strides = array<i32>} : memref<64x1024xf32, #tpu.memory_space<vmem>>, vector<16xf32>,
      tpu.vector_store %arg7[%swap3A_137, %swap3A_138], %broadcast_in_dim3A_7 {strides = array<i32>} : memref<64x1024xf32, #tpu.memory_space<vmem>>, vector<16xf32>,
      %swap3A_140 = arith.index_cast %scan3A_23 : i32 to index
      %swap3A_141 = arith.constant 624 : index
      %swap3A_142 = tpu.vector_load %arg7[%swap3A_140, %swap3A_141] {strides = array<i32>} : memref<64x1024xf32, #tpu.memory_space<vmem>>, vector<16xf32>,
      tpu.vector_store %arg7[%swap3A_140, %swap3A_141], %broadcast_in_dim3A_7 {strides = array<i32>} : memref<64x1024xf32, #tpu.memory_space<vmem>>, vector<16xf32>,
      %swap3A_143 = arith.index_cast %scan3A_23 : i32 to index
      %swap3A_144 = arith.constant 640 : index
      %swap3A_145 = tpu.vector_load %arg7[%swap3A_143, %swap3A_144] {strides = array<i32>} : memref<64x1024xf32, #tpu.memory_space<vmem>>, vector<16xf32>,
      tpu.vector_store %arg7[%swap3A_143, %swap3A_144], %broadcast_in_dim3A_7 {strides = array<i32>} : memref<64x1024xf32, #tpu.memory_space<vmem>>, vector<16xf32>,
      %swap3A_146 = arith.index_cast %scan3A_23 : i32 to index
      %swap3A_147 = arith.constant 656 : index
      %swap3A_148 = tpu.vector_load %arg7[%swap3A_146, %swap3A_147] {strides = array<i32>} : memref<64x1024xf32, #tpu.memory_space<vmem>>, vector<16xf32>,
      tpu.vector_store %arg7[%swap3A_146, %swap3A_147], %broadcast_in_dim3A_7 {strides = array<i32>} : memref<64x1024xf32, #tpu.memory_space<vmem>>, vector<16xf32>,
      %swap3A_149 = arith.index_cast %scan3A_23 : i32 to index
      %swap3A_150 = arith.constant 672 : index
      %swap3A_151 = tpu.vector_load %arg7[%swap3A_149, %swap3A_150] {strides = array<i32>} : memref<64x1024xf32, #tpu.memory_space<vmem>>, vector<16xf32>,
      tpu.vector_store %arg7[%swap3A_149, %swap3A_150], %broadcast_in_dim3A_7 {strides = array<i32>} : memref<64x1024xf32, #tpu.memory_space<vmem>>, vector<16xf32>,
      %swap3A_152 = arith.index_cast %scan3A_23 : i32 to index
      %swap3A_153 = arith.constant 688 : index
      %swap3A_154 = tpu.vector_load %arg7[%swap3A_152, %swap3A_153] {strides = array<i32>} : memref<64x1024xf32, #tpu.memory_space<vmem>>, vector<16xf32>,
      tpu.vector_store %arg7[%swap3A_152, %swap3A_153], %broadcast_in_dim3A_7 {strides = array<i32>} : memref<64x1024xf32, #tpu.memory_space<vmem>>, vector<16xf32>,
      %swap3A_155 = arith.index_cast %scan3A_23 : i32 to index
      %swap3A_156 = arith.constant 704 : index
      %swap3A_157 = tpu.vector_load %arg7[%swap3A_155, %swap3A_156] {strides = array<i32>} : memref<64x1024xf32, #tpu.memory_space<vmem>>, vector<16xf32>,
      tpu.vector_store %arg7[%swap3A_155, %swap3A_156], %broadcast_in_dim3A_7 {strides = array<i32>} : memref<64x1024xf32, #tpu.memory_space<vmem>>, vector<16xf32>,
      %swap3A_158 = arith.index_cast %scan3A_23 : i32 to index
      %swap3A_159 = arith.constant 720 : index
      %swap3A_160 = tpu.vector_load %arg7[%swap3A_158, %swap3A_159] {strides = array<i32>} : memref<64x1024xf32, #tpu.memory_space<vmem>>, vector<16xf32>,
      tpu.vector_store %arg7[%swap3A_158, %swap3A_159], %broadcast_in_dim3A_7 {strides = array<i32>} : memref<64x1024xf32, #tpu.memory_space<vmem>>, vector<16xf32>,
      %swap3A_161 = arith.index_cast %scan3A_23 : i32 to index
      %swap3A_162 = arith.constant 736 : index
      %swap3A_163 = tpu.vector_load %arg7[%swap3A_161, %swap3A_162] {strides = array<i32>} : memref<64x1024xf32, #tpu.memory_space<vmem>>, vector<16xf32>,
      tpu.vector_store %arg7[%swap3A_161, %swap3A_162], %broadcast_in_dim3A_7 {strides = array<i32>} : memref<64x1024xf32, #tpu.memory_space<vmem>>, vector<16xf32>,
      %swap3A_164 = arith.index_cast %scan3A_23 : i32 to index
      %swap3A_165 = arith.constant 752 : index
      %swap3A_166 = tpu.vector_load %arg7[%swap3A_164, %swap3A_165] {strides = array<i32>} : memref<64x1024xf32, #tpu.memory_space<vmem>>, vector<16xf32>,
      tpu.vector_store %arg7[%swap3A_164, %swap3A_165], %broadcast_in_dim3A_7 {strides = array<i32>} : memref<64x1024xf32, #tpu.memory_space<vmem>>, vector<16xf32>,
      %swap3A_167 = arith.index_cast %scan3A_23 : i32 to index
      %swap3A_168 = arith.constant 768 : index
      %swap3A_169 = tpu.vector_load %arg7[%swap3A_167, %swap3A_168] {strides = array<i32>} : memref<64x1024xf32, #tpu.memory_space<vmem>>, vector<16xf32>,
      tpu.vector_store %arg7[%swap3A_167, %swap3A_168], %broadcast_in_dim3A_7 {strides = array<i32>} : memref<64x1024xf32, #tpu.memory_space<vmem>>, vector<16xf32>,
      %swap3A_170 = arith.index_cast %scan3A_23 : i32 to index
      %swap3A_171 = arith.constant 784 : index
      %swap3A_172 = tpu.vector_load %arg7[%swap3A_170, %swap3A_171] {strides = array<i32>} : memref<64x1024xf32, #tpu.memory_space<vmem>>, vector<16xf32>,
      tpu.vector_store %arg7[%swap3A_170, %swap3A_171], %broadcast_in_dim3A_7 {strides = array<i32>} : memref<64x1024xf32, #tpu.memory_space<vmem>>, vector<16xf32>,
      %swap3A_173 = arith.index_cast %scan3A_23 : i32 to index
      %swap3A_174 = arith.constant 800 : index
      %swap3A_175 = tpu.vector_load %arg7[%swap3A_173, %swap3A_174] {strides = array<i32>} : memref<64x1024xf32, #tpu.memory_space<vmem>>, vector<16xf32>,
      tpu.vector_store %arg7[%swap3A_173, %swap3A_174], %broadcast_in_dim3A_7 {strides = array<i32>} : memref<64x1024xf32, #tpu.memory_space<vmem>>, vector<16xf32>,
      %swap3A_176 = arith.index_cast %scan3A_23 : i32 to index
      %swap3A_177 = arith.constant 816 : index
      %swap3A_178 = tpu.vector_load %arg7[%swap3A_176, %swap3A_177] {strides = array<i32>} : memref<64x1024xf32, #tpu.memory_space<vmem>>, vector<16xf32>,
      tpu.vector_store %arg7[%swap3A_176, %swap3A_177], %broadcast_in_dim3A_7 {strides = array<i32>} : memref<64x1024xf32, #tpu.memory_space<vmem>>, vector<16xf32>,
      %swap3A_179 = arith.index_cast %scan3A_23 : i32 to index
      %swap3A_180 = arith.constant 832 : index
      %swap3A_181 = tpu.vector_load %arg7[%swap3A_179, %swap3A_180] {strides = array<i32>} : memref<64x1024xf32, #tpu.memory_space<vmem>>, vector<16xf32>,
      tpu.vector_store %arg7[%swap3A_179, %swap3A_180], %broadcast_in_dim3A_7 {strides = array<i32>} : memref<64x1024xf32, #tpu.memory_space<vmem>>, vector<16xf32>,
      %swap3A_182 = arith.index_cast %scan3A_23 : i32 to index
      %swap3A_183 = arith.constant 848 : index
      %swap3A_184 = tpu.vector_load %arg7[%swap3A_182, %swap3A_183] {strides = array<i32>} : memref<64x1024xf32, #tpu.memory_space<vmem>>, vector<16xf32>,
      tpu.vector_store %arg7[%swap3A_182, %swap3A_183], %broadcast_in_dim3A_7 {strides = array<i32>} : memref<64x1024xf32, #tpu.memory_space<vmem>>, vector<16xf32>,
      %swap3A_185 = arith.index_cast %scan3A_23 : i32 to index
      %swap3A_186 = arith.constant 864 : index
      %swap3A_187 = tpu.vector_load %arg7[%swap3A_185, %swap3A_186] {strides = array<i32>} : memref<64x1024xf32, #tpu.memory_space<vmem>>, vector<16xf32>,
      tpu.vector_store %arg7[%swap3A_185, %swap3A_186], %broadcast_in_dim3A_7 {strides = array<i32>} : memref<64x1024xf32, #tpu.memory_space<vmem>>, vector<16xf32>,
      %swap3A_188 = arith.index_cast %scan3A_23 : i32 to index
      %swap3A_189 = arith.constant 880 : index
      %swap3A_190 = tpu.vector_load %arg7[%swap3A_188, %swap3A_189] {strides = array<i32>} : memref<64x1024xf32, #tpu.memory_space<vmem>>, vector<16xf32>,
      tpu.vector_store %arg7[%swap3A_188, %swap3A_189], %broadcast_in_dim3A_7 {strides = array<i32>} : memref<64x1024xf32, #tpu.memory_space<vmem>>, vector<16xf32>,
      %swap3A_191 = arith.index_cast %scan3A_23 : i32 to index
      %swap3A_192 = arith.constant 896 : index
      %swap3A_193 = tpu.vector_load %arg7[%swap3A_191, %swap3A_192] {strides = array<i32>} : memref<64x1024xf32, #tpu.memory_space<vmem>>, vector<16xf32>,
      tpu.vector_store %arg7[%swap3A_191, %swap3A_192], %broadcast_in_dim3A_7 {strides = array<i32>} : memref<64x1024xf32, #tpu.memory_space<vmem>>, vector<16xf32>,
      %swap3A_194 = arith.index_cast %scan3A_23 : i32 to index
      %swap3A_195 = arith.constant 912 : index
      %swap3A_196 = tpu.vector_load %arg7[%swap3A_194, %swap3A_195] {strides = array<i32>} : memref<64x1024xf32, #tpu.memory_space<vmem>>, vector<16xf32>,
      tpu.vector_store %arg7[%swap3A_194, %swap3A_195], %broadcast_in_dim3A_7 {strides = array<i32>} : memref<64x1024xf32, #tpu.memory_space<vmem>>, vector<16xf32>,
      %swap3A_197 = arith.index_cast %scan3A_23 : i32 to index
      %swap3A_198 = arith.constant 928 : index
      %swap3A_199 = tpu.vector_load %arg7[%swap3A_197, %swap3A_198] {strides = array<i32>} : memref<64x1024xf32, #tpu.memory_space<vmem>>, vector<16xf32>,
      tpu.vector_store %arg7[%swap3A_197, %swap3A_198], %broadcast_in_dim3A_7 {strides = array<i32>} : memref<64x1024xf32, #tpu.memory_space<vmem>>, vector<16xf32>,
      %swap3A_200 = arith.index_cast %scan3A_23 : i32 to index
      %swap3A_201 = arith.constant 944 : index
      %swap3A_202 = tpu.vector_load %arg7[%swap3A_200, %swap3A_201] {strides = array<i32>} : memref<64x1024xf32, #tpu.memory_space<vmem>>, vector<16xf32>,
      tpu.vector_store %arg7[%swap3A_200, %swap3A_201], %broadcast_in_dim3A_7 {strides = array<i32>} : memref<64x1024xf32, #tpu.memory_space<vmem>>, vector<16xf32>,
      %swap3A_203 = arith.index_cast %scan3A_23 : i32 to index
      %swap3A_204 = arith.constant 960 : index
      %swap3A_205 = tpu.vector_load %arg7[%swap3A_203, %swap3A_204] {strides = array<i32>} : memref<64x1024xf32, #tpu.memory_space<vmem>>, vector<16xf32>,
      tpu.vector_store %arg7[%swap3A_203, %swap3A_204], %broadcast_in_dim3A_7 {strides = array<i32>} : memref<64x1024xf32, #tpu.memory_space<vmem>>, vector<16xf32>,
      %swap3A_206 = arith.index_cast %scan3A_23 : i32 to index
      %swap3A_207 = arith.constant 976 : index
      %swap3A_208 = tpu.vector_load %arg7[%swap3A_206, %swap3A_207] {strides = array<i32>} : memref<64x1024xf32, #tpu.memory_space<vmem>>, vector<16xf32>,
      tpu.vector_store %arg7[%swap3A_206, %swap3A_207], %broadcast_in_dim3A_7 {strides = array<i32>} : memref<64x1024xf32, #tpu.memory_space<vmem>>, vector<16xf32>,
      %swap3A_209 = arith.index_cast %scan3A_23 : i32 to index
      %swap3A_210 = arith.constant 992 : index
      %swap3A_211 = tpu.vector_load %arg7[%swap3A_209, %swap3A_210] {strides = array<i32>} : memref<64x1024xf32, #tpu.memory_space<vmem>>, vector<16xf32>,
      tpu.vector_store %arg7[%swap3A_209, %swap3A_210], %broadcast_in_dim3A_7 {strides = array<i32>} : memref<64x1024xf32, #tpu.memory_space<vmem>>, vector<16xf32>,
      %swap3A_212 = arith.index_cast %scan3A_23 : i32 to index
      %swap3A_213 = arith.constant 1008 : index
      %swap3A_214 = tpu.vector_load %arg7[%swap3A_212, %swap3A_213] {strides = array<i32>} : memref<64x1024xf32, #tpu.memory_space<vmem>>, vector<16xf32>,
      tpu.vector_store %arg7[%swap3A_212, %swap3A_213], %broadcast_in_dim3A_7 {strides = array<i32>} : memref<64x1024xf32, #tpu.memory_space<vmem>>, vector<16xf32>,
    }
    %scan3A_12 = arith.constant 64 : i32
    %scan3A_13 = arith.constant 0 : i32
    %scan3A_14 = arith.constant 0 : i32
    %scan3A_15 = arith.constant 125 : i32
    %scan3A_16 = arith.addi %scan3A_14, %scan3A_15 : i32
    %scan3A_17 = arith.constant 1 : i32
    scf.for %scan3A_23 = %scan3A_14 to %scan3A_16 step %scan3A_17  : i32 {
      %mul3A_24 = arith.constant 4 : i32
      %mul3A_25 = arith.muli %scan3A_23, %mul3A_24 : i32
      %mul3A_26 = arith.constant 16 : i32
      %mul3A_27 = arith.muli %mul3A_25, %mul3A_26 : i32
      %add3A_28 = arith.constant 0 : i32
      %add3A_29 = arith.addi %mul3A_27, %add3A_28 : i32
      %get3A = arith.index_cast %add3A_29 : i32 to index
      %get3A_30 = tpu.vector_load %arg5[%get3A] {strides = array<i32>} : memref<8000xi32, #tpu.memory_space<vmem>>, vector<16xi32>,
      %mul3A_31 = arith.constant 4 : i32
      %mul3A_32 = arith.muli %scan3A_23, %mul3A_31 : i32
      %mul3A_33 = arith.constant 16 : i32
      %mul3A_34 = arith.muli %mul3A_32, %mul3A_33 : i32
      %add3A_35 = arith.constant 0 : i32
      %add3A_36 = arith.addi %mul3A_34, %add3A_35 : i32
      %get3A_37 = arith.index_cast %add3A_36 : i32 to index
      %get3A_38 = tpu.vector_load %arg6[%get3A_37] {strides = array<i32>} : memref<8000xi32, #tpu.memory_space<vmem>>, vector<16xi32>,
      %sub3A = vector.broadcast %mul3A_0 : i32 to vector<16xi32>
      %sub3A_39 = arith.subi %get3A_38, %sub3A : vector<16xi32>
      %ge3A = arith.constant 0 : i32
      %ge3A_40 = vector.broadcast %ge3A : i32 to vector<16xi32>
      %ge3A_41 = arith.cmpi sge, %sub3A_39, %ge3A_40 : vector<16xi32>
      %lt3A = arith.constant 64 : i32
      %lt3A_42 = vector.broadcast %lt3A : i32 to vector<16xi32>
      %lt3A_43 = arith.cmpi slt, %sub3A_39, %lt3A_42 : vector<16xi32>
      %and3A = arith.andi %ge3A_41, %lt3A_43 : vector<16xi1>
      %mul3A_44 = arith.constant 1024 : i32
      %mul3A_45 = vector.broadcast %mul3A_44 : i32 to vector<16xi32>
      %mul3A_46 = arith.muli %sub3A_39, %mul3A_45 : vector<16xi32>
      %add3A_47 = arith.addi %mul3A_46, %get3A_30 : vector<16xi32>
      %unique3A, %unique3A_48 = tpu.scan_count mask(%and3A : vector<16xi1>) value(%add3A_47 : vector<16xi32>) : vector<16xi1>, vector<16xi32>
      %convert_element_type3A_49 = arith.sitofp %unique3A_48 : vector<16xi32> to vector<16xf32>
      %and3A_50 = arith.andi %unique3A, %and3A : vector<16xi1>
      tpu.vector_store_idx %arg7[%sub3A_39, %get3A_30], %convert_element_type3A_49 masked %and3A_50 {add = true} : memref<64x1024xf32, #tpu.memory_space<vmem>>[vector<16xi32>, vector<16xi32>], vector<16xf32>, vector<16xi1>
      %mul3A_51 = arith.constant 4 : i32
      %mul3A_52 = arith.muli %scan3A_23, %mul3A_51 : i32
      %mul3A_53 = arith.constant 16 : i32
      %mul3A_54 = arith.muli %mul3A_52, %mul3A_53 : i32
      %add3A_55 = arith.constant 16 : i32
      %add3A_56 = arith.addi %mul3A_54, %add3A_55 : i32
      %get3A_57 = arith.index_cast %add3A_56 : i32 to index
      %get3A_58 = tpu.vector_load %arg5[%get3A_57] {strides = array<i32>} : memref<8000xi32, #tpu.memory_space<vmem>>, vector<16xi32>,
      %mul3A_59 = arith.constant 4 : i32
      %mul3A_60 = arith.muli %scan3A_23, %mul3A_59 : i32
      %mul3A_61 = arith.constant 16 : i32
      %mul3A_62 = arith.muli %mul3A_60, %mul3A_61 : i32
      %add3A_63 = arith.constant 16 : i32
      %add3A_64 = arith.addi %mul3A_62, %add3A_63 : i32
      %get3A_65 = arith.index_cast %add3A_64 : i32 to index
      %get3A_66 = tpu.vector_load %arg6[%get3A_65] {strides = array<i32>} : memref<8000xi32, #tpu.memory_space<vmem>>, vector<16xi32>,
      %sub3A_67 = vector.broadcast %mul3A_0 : i32 to vector<16xi32>
      %sub3A_68 = arith.subi %get3A_66, %sub3A_67 : vector<16xi32>
      %ge3A_69 = arith.constant 0 : i32
      %ge3A_70 = vector.broadcast %ge3A_69 : i32 to vector<16xi32>
      %ge3A_71 = arith.cmpi sge, %sub3A_68, %ge3A_70 : vector<16xi32>
      %lt3A_72 = arith.constant 64 : i32
      %lt3A_73 = vector.broadcast %lt3A_72 : i32 to vector<16xi32>
      %lt3A_74 = arith.cmpi slt, %sub3A_68, %lt3A_73 : vector<16xi32>
      %and3A_75 = arith.andi %ge3A_71, %lt3A_74 : vector<16xi1>
      %mul3A_76 = arith.constant 1024 : i32
      %mul3A_77 = vector.broadcast %mul3A_76 : i32 to vector<16xi32>
      %mul3A_78 = arith.muli %sub3A_68, %mul3A_77 : vector<16xi32>
      %add3A_79 = arith.addi %mul3A_78, %get3A_58 : vector<16xi32>
      %unique3A_80, %unique3A_81 = tpu.scan_count mask(%and3A_75 : vector<16xi1>) value(%add3A_79 : vector<16xi32>) : vector<16xi1>, vector<16xi32>
      %convert_element_type3A_82 = arith.sitofp %unique3A_81 : vector<16xi32> to vector<16xf32>
      %and3A_83 = arith.andi %unique3A_80, %and3A_75 : vector<16xi1>
      tpu.vector_store_idx %arg7[%sub3A_68, %get3A_58], %convert_element_type3A_82 masked %and3A_83 {add = true} : memref<64x1024xf32, #tpu.memory_space<vmem>>[vector<16xi32>, vector<16xi32>], vector<16xf32>, vector<16xi1>
      %mul3A_84 = arith.constant 4 : i32
      %mul3A_85 = arith.muli %scan3A_23, %mul3A_84 : i32
      %mul3A_86 = arith.constant 16 : i32
      %mul3A_87 = arith.muli %mul3A_85, %mul3A_86 : i32
      %add3A_88 = arith.constant 32 : i32
      %add3A_89 = arith.addi %mul3A_87, %add3A_88 : i32
      %get3A_90 = arith.index_cast %add3A_89 : i32 to index
      %get3A_91 = tpu.vector_load %arg5[%get3A_90] {strides = array<i32>} : memref<8000xi32, #tpu.memory_space<vmem>>, vector<16xi32>,
      %mul3A_92 = arith.constant 4 : i32
      %mul3A_93 = arith.muli %scan3A_23, %mul3A_92 : i32
      %mul3A_94 = arith.constant 16 : i32
      %mul3A_95 = arith.muli %mul3A_93, %mul3A_94 : i32
      %add3A_96 = arith.constant 32 : i32
      %add3A_97 = arith.addi %mul3A_95, %add3A_96 : i32
      %get3A_98 = arith.index_cast %add3A_97 : i32 to index
      %get3A_99 = tpu.vector_load %arg6[%get3A_98] {strides = array<i32>} : memref<8000xi32, #tpu.memory_space<vmem>>, vector<16xi32>,
      %sub3A_100 = vector.broadcast %mul3A_0 : i32 to vector<16xi32>
      %sub3A_101 = arith.subi %get3A_99, %sub3A_100 : vector<16xi32>
      %ge3A_102 = arith.constant 0 : i32
      %ge3A_103 = vector.broadcast %ge3A_102 : i32 to vector<16xi32>
      %ge3A_104 = arith.cmpi sge, %sub3A_101, %ge3A_103 : vector<16xi32>
      %lt3A_105 = arith.constant 64 : i32
      %lt3A_106 = vector.broadcast %lt3A_105 : i32 to vector<16xi32>
      %lt3A_107 = arith.cmpi slt, %sub3A_101, %lt3A_106 : vector<16xi32>
      %and3A_108 = arith.andi %ge3A_104, %lt3A_107 : vector<16xi1>
      %mul3A_109 = arith.constant 1024 : i32
      %mul3A_110 = vector.broadcast %mul3A_109 : i32 to vector<16xi32>
      %mul3A_111 = arith.muli %sub3A_101, %mul3A_110 : vector<16xi32>
      %add3A_112 = arith.addi %mul3A_111, %get3A_91 : vector<16xi32>
      %unique3A_113, %unique3A_114 = tpu.scan_count mask(%and3A_108 : vector<16xi1>) value(%add3A_112 : vector<16xi32>) : vector<16xi1>, vector<16xi32>
      %convert_element_type3A_115 = arith.sitofp %unique3A_114 : vector<16xi32> to vector<16xf32>
      %and3A_116 = arith.andi %unique3A_113, %and3A_108 : vector<16xi1>
      tpu.vector_store_idx %arg7[%sub3A_101, %get3A_91], %convert_element_type3A_115 masked %and3A_116 {add = true} : memref<64x1024xf32, #tpu.memory_space<vmem>>[vector<16xi32>, vector<16xi32>], vector<16xf32>, vector<16xi1>
      %mul3A_117 = arith.constant 4 : i32
      %mul3A_118 = arith.muli %scan3A_23, %mul3A_117 : i32
      %mul3A_119 = arith.constant 16 : i32
      %mul3A_120 = arith.muli %mul3A_118, %mul3A_119 : i32
      %add3A_121 = arith.constant 48 : i32
      %add3A_122 = arith.addi %mul3A_120, %add3A_121 : i32
      %get3A_123 = arith.index_cast %add3A_122 : i32 to index
      %get3A_124 = tpu.vector_load %arg5[%get3A_123] {strides = array<i32>} : memref<8000xi32, #tpu.memory_space<vmem>>, vector<16xi32>,
      %mul3A_125 = arith.constant 4 : i32
      %mul3A_126 = arith.muli %scan3A_23, %mul3A_125 : i32
      %mul3A_127 = arith.constant 16 : i32
      %mul3A_128 = arith.muli %mul3A_126, %mul3A_127 : i32
      %add3A_129 = arith.constant 48 : i32
      %add3A_130 = arith.addi %mul3A_128, %add3A_129 : i32
      %get3A_131 = arith.index_cast %add3A_130 : i32 to index
      %get3A_132 = tpu.vector_load %arg6[%get3A_131] {strides = array<i32>} : memref<8000xi32, #tpu.memory_space<vmem>>, vector<16xi32>,
      %sub3A_133 = vector.broadcast %mul3A_0 : i32 to vector<16xi32>
      %sub3A_134 = arith.subi %get3A_132, %sub3A_133 : vector<16xi32>
      %ge3A_135 = arith.constant 0 : i32
      %ge3A_136 = vector.broadcast %ge3A_135 : i32 to vector<16xi32>
      %ge3A_137 = arith.cmpi sge, %sub3A_134, %ge3A_136 : vector<16xi32>
      %lt3A_138 = arith.constant 64 : i32
      %lt3A_139 = vector.broadcast %lt3A_138 : i32 to vector<16xi32>
      %lt3A_140 = arith.cmpi slt, %sub3A_134, %lt3A_139 : vector<16xi32>
      %and3A_141 = arith.andi %ge3A_137, %lt3A_140 : vector<16xi1>
      %mul3A_142 = arith.constant 1024 : i32
      %mul3A_143 = vector.broadcast %mul3A_142 : i32 to vector<16xi32>
      %mul3A_144 = arith.muli %sub3A_134, %mul3A_143 : vector<16xi32>
      %add3A_145 = arith.addi %mul3A_144, %get3A_124 : vector<16xi32>
      %unique3A_146, %unique3A_147 = tpu.scan_count mask(%and3A_141 : vector<16xi1>) value(%add3A_145 : vector<16xi32>) : vector<16xi1>, vector<16xi32>
      %convert_element_type3A_148 = arith.sitofp %unique3A_147 : vector<16xi32> to vector<16xf32>
      %and3A_149 = arith.andi %unique3A_146, %and3A_141 : vector<16xi1>
      tpu.vector_store_idx %arg7[%sub3A_134, %get3A_124], %convert_element_type3A_148 masked %and3A_149 {add = true} : memref<64x1024xf32, #tpu.memory_space<vmem>>[vector<16xi32>, vector<16xi32>], vector<16xf32>, vector<16xi1>
    }
    %scan3A_18 = arith.constant 125 : i32
    %eq3A = arith.constant 0 : i32
    %eq3A_19 = arith.cmpi eq, %arg0, %eq3A : i32
    %convert_element_type3A = arith.extui %eq3A_19 : i1 to i32
    %cond3A = arith.constant 0 : i32
    %cond3A_20 = arith.cmpi ne, %convert_element_type3A, %cond3A : i32
    scf.if %cond3A_20 {
      %add3A_23 = arith.constant 0 : i32
      %add3A_24 = vector.broadcast %add3A_23 : i32 to vector<16xi32>
      %add3A_25 = arith.addi %add3A_24, %iota3A : vector<16xi32>
      %add3A_26 = vector.broadcast %mul3A_0 : i32 to vector<16xi32>
      %add3A_27 = arith.addi %add3A_26, %add3A_25 : vector<16xi32>
      %lt3A = arith.constant 1000 : i32
      %lt3A_28 = vector.broadcast %lt3A : i32 to vector<16xi32>
      %lt3A_29 = arith.cmpi slt, %add3A_27, %lt3A_28 : vector<16xi32>
      tpu.vector_store_idx %arg7[%add3A_25, %add3A_27], %broadcast_in_dim3A_5 masked %lt3A_29 {add = true} : memref<64x1024xf32, #tpu.memory_space<vmem>>[vector<16xi32>, vector<16xi32>], vector<16xf32>, vector<16xi1>
      %add3A_30 = arith.constant 16 : i32
      %add3A_31 = vector.broadcast %add3A_30 : i32 to vector<16xi32>
      %add3A_32 = arith.addi %add3A_31, %iota3A : vector<16xi32>
      %add3A_33 = vector.broadcast %mul3A_0 : i32 to vector<16xi32>
      %add3A_34 = arith.addi %add3A_33, %add3A_32 : vector<16xi32>
      %lt3A_35 = arith.constant 1000 : i32
      %lt3A_36 = vector.broadcast %lt3A_35 : i32 to vector<16xi32>
      %lt3A_37 = arith.cmpi slt, %add3A_34, %lt3A_36 : vector<16xi32>
      tpu.vector_store_idx %arg7[%add3A_32, %add3A_34], %broadcast_in_dim3A_5 masked %lt3A_37 {add = true} : memref<64x1024xf32, #tpu.memory_space<vmem>>[vector<16xi32>, vector<16xi32>], vector<16xf32>, vector<16xi1>
      %add3A_38 = arith.constant 32 : i32
      %add3A_39 = vector.broadcast %add3A_38 : i32 to vector<16xi32>
      %add3A_40 = arith.addi %add3A_39, %iota3A : vector<16xi32>
      %add3A_41 = vector.broadcast %mul3A_0 : i32 to vector<16xi32>
      %add3A_42 = arith.addi %add3A_41, %add3A_40 : vector<16xi32>
      %lt3A_43 = arith.constant 1000 : i32
      %lt3A_44 = vector.broadcast %lt3A_43 : i32 to vector<16xi32>
      %lt3A_45 = arith.cmpi slt, %add3A_42, %lt3A_44 : vector<16xi32>
      tpu.vector_store_idx %arg7[%add3A_40, %add3A_42], %broadcast_in_dim3A_5 masked %lt3A_45 {add = true} : memref<64x1024xf32, #tpu.memory_space<vmem>>[vector<16xi32>, vector<16xi32>], vector<16xf32>, vector<16xi1>
      %add3A_46 = arith.constant 48 : i32
      %add3A_47 = vector.broadcast %add3A_46 : i32 to vector<16xi32>
      %add3A_48 = arith.addi %add3A_47, %iota3A : vector<16xi32>
      %add3A_49 = vector.broadcast %mul3A_0 : i32 to vector<16xi32>
      %add3A_50 = arith.addi %add3A_49, %add3A_48 : vector<16xi32>
      %lt3A_51 = arith.constant 1000 : i32
      %lt3A_52 = vector.broadcast %lt3A_51 : i32 to vector<16xi32>
      %lt3A_53 = arith.cmpi slt, %add3A_50, %lt3A_52 : vector<16xi32>
      tpu.vector_store_idx %arg7[%add3A_48, %add3A_50], %broadcast_in_dim3A_5 masked %lt3A_53 {add = true} : memref<64x1024xf32, #tpu.memory_space<vmem>>[vector<16xi32>, vector<16xi32>], vector<16xf32>, vector<16xi1>
    } else {
    }
    %mul3A_21 = arith.constant 1024 : i32
    %mul3A_22 = arith.muli %arg0, %mul3A_21 : i32
    %add3A = arith.addi %mul3A_22, %mul3A_0 : i32
    "tpu.region"() ({
      %run_scoped3A = tpu.sem_alloc : memref<!tpu.dma_semaphore, #tpu.memory_space<semaphore_mem>>
      %dma_start3A = arith.constant 0 : i32
      %dma_start3A_23 = tpu.memref_slice %arg4[%add3A, %dma_start3A] : memref<2048x1024xf32, #tpu.memory_space<hbm>> -> memref<64x1024xf32, #tpu.memory_space<hbm>>
      %dma_start3A_24 = arith.constant 0 : i32
      %dma_start3A_25 = tpu.memref_slice %arg4[%add3A, %dma_start3A_24] : memref<2048x1024xf32, #tpu.memory_space<hbm>> -> memref<64x1024xf32, #tpu.memory_space<hbm>>
      tpu.enqueue_dma source(%arg7 : memref<64x1024xf32, #tpu.memory_space<vmem>>) target(%dma_start3A_25 : memref<64x1024xf32, #tpu.memory_space<hbm>>) target_semaphore(%run_scoped3A : memref<!tpu.dma_semaphore, #tpu.memory_space<semaphore_mem>>)
      %dma_wait3A = arith.constant 0 : i32
      %dma_wait3A_26 = tpu.memref_slice %arg4[%add3A, %dma_wait3A] : memref<2048x1024xf32, #tpu.memory_space<hbm>> -> memref<64x1024xf32, #tpu.memory_space<hbm>>
      %dma_wait3A_27 = arith.constant 0 : i32
      %dma_wait3A_28 = tpu.memref_slice %arg4[%add3A, %dma_wait3A_27] : memref<2048x1024xf32, #tpu.memory_space<hbm>> -> memref<64x1024xf32, #tpu.memory_space<hbm>>
      tpu.wait_dma2 semaphore(%run_scoped3A : memref<!tpu.dma_semaphore, #tpu.memory_space<semaphore_mem>>) src(%arg7 : memref<64x1024xf32, #tpu.memory_space<vmem>>) dst(%dma_wait3A_28 : memref<64x1024xf32, #tpu.memory_space<hbm>>)
      tpu.yield
    }) : () -> ()
    return
  }
}

</mosaic_0001>

<sc_bundles>
// kernel: _build_counts.3.cloned.1.call-start
scs
__scs_entry_jumppad:
0x0: {  	(pc) =	sbr.rel $0x88, $3  }
0x1: {  	(tag) =	ssettag $0x0;
	lr =	simm.s32 $0x1  }
0x2: {  	[smem:$0x3F9F] =	sst lr;
	_ =	strace $0xD0000000  }
0x3: {  	_ = 	snop  }
0x4: {  	_ = 	snop  }
0x5: {  	_ = 	snop  }
0x6: {  	_ = 	snop  }
0x7: {  	_ = 	snop  }
__scs_overlays_trampoline_lowered:
0x8: {  	[smem:$0x3FAE] =	sst s0  }
0x9: {  	[smem:$0x3FAF] =	sst s1  }
0xa: {  	[smem:$0x3FB0] =	sst s2  }
0xb: {  	[smem:$0x3FB1] =	sst s3  }
0xc: {  	[smem:$0x3FB2] =	sst s4  }
0xd: {  	[smem:$0x3FB3] =	sst s5  }
0xe: {  	[smem:$0x3FB4] =	sst s6  }
0xf: {  	[smem:$0x3FB5] =	sst s7  }
0x10: {  	[smem:$0x3FB6] =	sst s8  }
0x11: {  	[smem:$0x3FB7] =	sst s9;
	s0 =	simm.s32 @!p0 $0x0  }
0x12: {  	s1 =	sld [smem:$0x3F9D];
	s0 =	simm.s32 @p0 $0x1  }
0x13: {  	[smem:$0x3FB8] =	sst s0;
	s0 =	simm.s32 @!p1 $0x0  }
0x14: {  	s2 =	sld [smem:$0x3F9C];
	s0 =	simm.s32 @p1 $0x1  }
0x15: {  	[smem:$0x3FB9] =	sst s0;
	s0 =	simm.s32 @!p2 $0x0  }
0x16: {  	s3 =	sld [smem:$0x3FDB];
	s0 =	simm.s32 @p2 $0x1  }
0x17: {  	s4 =	simm.s32 $0x1BF5;
	[smem:$0x3FBB] =	sst s0  }
0x18: {  	s0 =	sld [smem:$0x3F9E];
	_ =	swait.ge [sflag:s4], $0x0  }
0x19: {  	s7 =	sld [smem:$0x3F9F]  }
0x1a: {  	s8 =	sadd.s32 $0xFFFFE003, lr  }
0x1b: {  	s9 =	sadd.s32 $0xFFFFFEF7, lr;
	s5 =	simm.s32 $0xFFFFFFFF;
	p2 =	slt.u32 s8, $0xFFFFF086  }
0x1c: {  	p1 =	slt.u32 s9, $0xF7A;
	s5 =	simm.s32 @!p2 $0x0  }
0x1d: {  	s5 =	simm.s32 @p1 $0x1;
	p0 =	seq.s32 s7, s2  }
0x1e: {  	s7 =	smul.u32 @!p0 $0xF7A, s2;
	p2 =	seq.s32 @!p0 s5, $0x0  }
0x1f: {  	s9 =	smul.u32 $0xF7A, s1;
	s8 =	simm.s32 @!p0 $0x1BF5;
	p2 =	por !p2, p0  }
0x20: {  	[sflag:s8] =	ssyncset.s32 @!p0 $0xFFFFF086;
	s6 =	sadd.s32 @!p0 s3, s7;
	s7 =	simm.s32 @!p0 $0x108  }
0x21: {  	s3 =	sadd.s32 s3, s9;
	s6 =	sadd.s32 @!p0 $0x88, s6;
	s7 =	simm.s32 @p2 $0x1082  }
0x22: {  	[simem:s7], [sflag:s8] =	dma.local @!p0 [hbm:s6], $0xF7A  }
0x23: {  	s9 =	sor.u32 $0xD0000000, s2;
	s6 =	simm.s32 $0x108;
	_ =	swait.ge @!p0 [sflag:s8], $0x0  }
0x24: {  	s3 =	sadd.s32 $0x88, s3;
	s6 =	simm.s32 @!p1 $0x1082;
	[sflag:s4] =	ssyncset.s32 $0xFFFFF086  }
0x25: {  	[simem:s6], [sflag:s4] =	dma.local [hbm:s3], $0xF7A  }
0x26: {  	[smem:$0x3F9F] =	sst s1;
	(tag) =	ssettag s2;
	_ =	strace s9  }
0x27: {  	s1 =	sld [smem:$0x3FAF]  }
0x28: {  	s2 =	sld [smem:$0x3FB0]  }
0x29: {  	s4 =	sld [smem:$0x3FB2]  }
0x2a: {  	p0 =	seq.s32 s5, $0x0;
	s5 =	sld [smem:$0x3FB3]  }
0x2b: {  	s6 =	sld [smem:$0x3FB4]  }
0x2c: {  	s7 =	sld [smem:$0x3FB5]  }
0x2d: {  	s3 =	simm.s32 $0x108;
	s8 =	sld [smem:$0x3FB6]  }
0x2e: {  	s3 =	simm.s32 @!p0 $0x1082;
	s9 =	sld [smem:$0x3FB7]  }
0x2f: {  	lr =	sadd.s32 s0, s3;
	s0 =	sld [smem:$0x3FAE]  }
0x30: {  	s3 =	sld [smem:$0x3FB1]  }
0x31: {  	[smem:$0x3FBA] =	sst s10  }
0x32: {  	s10 =	sld [smem:$0x3FB8];
	_ =	sdelay $0x3  }
0x33: {  	p0 =	seq.s32 s10, $0x1;
	s10 =	sld [smem:$0x3FBA];
	_ =	sdelay $0x3  }
0x34: {  	[smem:$0x3FBA] =	sst s10  }
0x35: {  	s10 =	sld [smem:$0x3FB9];
	_ =	sdelay $0x3  }
0x36: {  	p1 =	seq.s32 s10, $0x1;
	s10 =	sld [smem:$0x3FBA];
	_ =	sdelay $0x3  }
0x37: {  	[smem:$0x3FBA] =	sst s10  }
0x38: {  	s10 =	sld [smem:$0x3FBB]  }
0x39: {  	_ = 	snop;
	(pc) =	sbr.ind lr, $3  }
0x3a: {  	_ = 	snop  }
0x3b: {  	_ = 	snop  }
0x3c: {  	p2 =	seq.s32 s10, $0x1;
	s10 =	sld [smem:$0x3FBA]  }
0x3d: {  	_ =	shalt  }
0x3e: {  	_ =	shalt  }
0x3f: {  	_ =	shalt  }
0x40: {  	_ =	shalt  }
0x41: {  	_ =	shalt  }
0x42: {  	_ =	shalt  }
0x43: {  	_ =	shalt  }
0x44: {  	_ =	shalt  }
0x45: {  	_ =	shalt  }
0x46: {  	_ =	shalt  }
0x47: {  	_ =	shalt  }
0x48: {  	_ =	shalt  }
0x49: {  	_ =	shalt  }
0x4a: {  	_ =	shalt  }
0x4b: {  	_ =	shalt  }
0x4c: {  	_ =	shalt  }
0x4d: {  	_ =	shalt  }
0x4e: {  	_ =	shalt  }
0x4f: {  	_ =	shalt  }
0x50: {  	_ =	shalt  }
0x51: {  	_ =	shalt  }
0x52: {  	_ =	shalt  }
0x53: {  	_ =	shalt  }
0x54: {  	_ =	shalt  }
0x55: {  	_ =	shalt  }
0x56: {  	_ =	shalt  }
0x57: {  	_ =	shalt  }
0x58: {  	_ =	shalt  }
0x59: {  	_ =	shalt  }
0x5a: {  	_ =	shalt  }
0x5b: {  	_ =	shalt  }
0x5c: {  	_ =	shalt  }
0x5d: {  	_ =	shalt  }
0x5e: {  	_ =	shalt  }
0x5f: {  	_ =	shalt  }
0x60: {  	_ =	shalt  }
0x61: {  	_ =	shalt  }
0x62: {  	_ =	shalt  }
0x63: {  	_ =	shalt  }
0x64: {  	_ =	shalt  }
0x65: {  	_ =	shalt  }
0x66: {  	_ =	shalt  }
0x67: {  	_ =	shalt  }
0x68: {  	_ =	shalt  }
0x69: {  	_ =	shalt  }
0x6a: {  	_ =	shalt  }
0x6b: {  	_ =	shalt  }
0x6c: {  	_ =	shalt  }
0x6d: {  	_ =	shalt  }
0x6e: {  	_ =	shalt  }
0x6f: {  	_ =	shalt  }
0x70: {  	_ =	shalt  }
0x71: {  	_ =	shalt  }
0x72: {  	_ =	shalt  }
0x73: {  	_ =	shalt  }
0x74: {  	_ =	shalt  }
0x75: {  	_ =	shalt  }
0x76: {  	_ =	shalt  }
0x77: {  	_ =	shalt  }
0x78: {  	_ =	shalt  }
0x79: {  	_ =	shalt  }
0x7a: {  	_ =	shalt  }
0x7b: {  	_ =	shalt  }
0x7c: {  	_ =	shalt  }
0x7d: {  	_ =	shalt  }
0x7e: {  	_ =	shalt  }
0x7f: {  	_ =	shalt  }
0x80: {  	_ =	shalt  }
0x81: {  	_ =	shalt  }
0x82: {  	_ =	shalt  }
0x83: {  	_ =	shalt  }
0x84: {  	_ =	shalt  }
0x85: {  	_ =	shalt  }
0x86: {  	_ =	shalt  }
0x87: {  	_ =	shalt  }
.Lfunc_end0:
.L_simem_size_0:
called_computation_lowered:
.L_overlay_start_0:
0x88: {  	s2 =	sld [smem:$0x3FD9]  }
0x89: {  	s3 =	sld [smem:$0x3FFE];
	_ =	sdelay $0x1  }
0x8a: {  	s1 =	srdreg.scid  }
0x8b: {  	s0 =	sand.u32 $0x1, s1  }
0x8c: {  	s18 =	sshll.u32 s0, $0xA;
	s2 =	sadd.s32 s3, s2  }
0x8d: {  	s2 =	sadd.s32 s2, s18  }
0x8e: {  	[smem:$0x3FC6] =	sst s2  }
0x8f: {  	_ = 	snop  }
0x90: {  	s2 =	sld [smem:$0x3FC9]  }
0x91: {  	s19 =	sld [smem:$0x3FC8]  }
0x92: {  	s4 =	sld [smem:$0x3FD0];
	(tm) =	ssettm $0x1  }
0x93: {  	s5 =	sld [smem:$0x3FFB];
	_ =	sdelay $0x3  }
0x94: {  	_ =	strace s5  }
0x95: {  	s5 =	sld [smem:$0x3FFC];
	_ =	sdelay $0x3  }
0x96: {  	_ =	strace s5  }
0x97: {  	s5 =	sld [smem:$0x3FFD];
	_ =	sdelay $0x3  }
0x98: {  	_ =	strace s5  }
0x99: {  	_ =	strace $0x8FFFFFFF  }
0x9a: {  	s20 =	sld [smem:$0x3FDB];
	_ =	sdelay $0x1  }
0x9b: {  	s6 =	simm.s32 $_scs_section_size  }
0x9c: {  	s7 =	simm.s32 $_size__tile_overlayer_lowered;
	s8 =	simm.s32 $_tile_overlayer_lowered  }
0x9d: {  	s23 =	simm.s32 $0x1BFF;
	s22 =	sshll.u32 s8, $0x1;
	s5 =	sadd.s32 s6, s20  }
0x9e: {  	s9 =	simm.s32 $0x0;
	s21 =	sshll.u32 s7, $0x1;
	s7 =	sadd.s32 s22, s5  }
0x9f: {  	[timem:s9], [sflag:s23] =	dma.local [hbm:s7], s21  }
0xa0: {  	_ =	swait.ge [sflag:s23], s21  }
0xa1: {  	s6 =	ssub.s32 $0x0, s21;
	[sflag:s23] =	ssyncset.done $0x0  }
0xa2: {  	[sflag:s23] =	ssyncadd.s32 s6;
	_ =	sdelay $0x1  }
0xa3: {  	s24 =	simm.s32 $0x1B8B  }
0xa4: {  	_ =	swait.ge [sflag:s24], $0x1  }
0xa5: {  	[sflag:s24] =	ssyncset.done $0x0  }
0xa6: {  	s25 =	simm.s32 $0x1B8E;
	[sflag:s24] =	ssyncadd.s32 $0xFFFFFFFF  }
0xa7: {  	s26 =	simm.s32 $execute0_lowered;
	[smem:$0x3FD2] =	sst s25  }
0xa8: {  	s6 =	sshll.u32 s26, $0x1;
	_ =	strace $0x80000046;
	[dreg:$0x1] =	wrdreg $0xFFFFFFFF  }
0xa9: {  	s28 =	simm.s32 $_size_execute0_lowered;
	s5 =	sadd.s32 s5, s6;
	[dreg:$0x0] =	wrdreg $0x0  }
0xaa: {  	s6 =	sshll.u32 s28, $0x1;
	[dreg:$0x2] =	wrdreg s5  }
0xab: {  	[dreg:$0x3] =	wrdreg s6  }
0xac: {  	[dreg:$0x4] =	wrdreg $0xC0  }
0xad: {  	_ =	task [dreg:s9], $0x5FFFF  }
0xae: {  	[dreg:$0x1] =	wrdreg $0xFFFFFFFF  }
0xaf: {  	[dreg:$0x0] =	wrdreg $0x60  }
0xb0: {  	[dreg:$0x2] =	wrdreg s2  }
0xb1: {  	[dreg:$0x3] =	wrdreg s19  }
0xb2: {  	[dreg:$0x4] =	wrdreg s4  }
0xb3: {  	[dreg:$0x5] =	wrdreg $0x9  }
0xb4: {  	_ =	task.clear_ibuf [dreg:s9], $0x6FFFF;
	_ =	strace $0x90000046  }
0xb5: {  	s29 =	simm.s32 $0x9;
	_ =	strace $0x80000048  }
0xb6: {  	_ =	swait.ge [sflag:s29], $0x1  }
0xb7: {  	[sflag:s29] =	ssyncadd.s32 $0xFFFFFFFF  }
0xb8: {  	_ =	strace $0x90000048  }
0xb9: {  	_ =	sfence  }
0xba: {  	s30 =	sld [smem:$0x0];
	_ =	sdelay $0x2  }
0xbb: {  	s31 =	sshll.u32 s1, $0xD;
	s1 =	sshrl.u32 s1, $0x2  }
0xbc: {  	s3 =	sand.u32 $0x4000, s31;
	s1 =	sadd.s32 s1, s30  }
0xbd: {  	s0 =	sor.u32 s3, s0;
	s1 =	sshll.u32 s1, $0x11  }
0xbe: {  	s0 =	sor.u32 s1, s0  }
0xbf: {  	s0 =	sadd.s32 $0x8F2B, s0  }
0xc0: {  	[sflag:s0] =	ssyncadd.remote.s32 $0x1  }
0xc1: {  	_ =	sfence.sel $0xFFFF  }
0xc2: {  	[dreg:$0x0] =	wrdreg $0xFFFFFFFF;
	(pc) =	sbr.abs _section_cstart, $3  }
0xc3: {  	[dreg:$0x1] =	wrdreg $0xFFFFFFFF  }
0xc4: {  	_ =	task.clear_ibuf [dreg:s9], $0x2FFFF;
	_ =	strace $0x9FFFFFFF  }
0xc5: {  	(tm) =	ssettm $0x7FFFFFFF  }
tec
execute0_lowered:
.L_overlay_start_1:
0x0: {  	(tag) =	ssettag $0x1  }
0x1: {  	v0 =	vimm.s32 $0x2380;
	vm14 =	vcmask $0x300  }
0x2: {  	vm13 =	vcmask $0x704;
	v0 =	vsel vm14, $0x0, v0  }
0x3: {  	vm12 =	vcmask $0xB08;
	v0 =	vsel vm13, $0x80, v0  }
0x4: {  	vm11 =	vcmask $0xF0C;
	v0 =	vsel vm12, $0x100, v0  }
0x5: {  	vm10 =	vcmask $0x1310;
	v0 =	vsel vm11, $0x180, v0  }
0x6: {  	vm9 =	vcmask $0x1714;
	v0 =	vsel vm10, $0x200, v0  }
0x7: {  	vm8 =	vcmask $0x1B18;
	vm7 =	vcmask $0x1F1C;
	v0 =	vsel vm9, $0x280, v0  }
0x8: {  	vm6 =	vcmask $0x2320;
	vm5 =	vcmask $0x2724;
	v0 =	vsel vm8, $0x300, v0  }
0x9: {  	v2 =	vlaneseq.u32;
	vm4 =	vcmask $0x2B28;
	v1 =	vsel vm7, $0x380, v0  }
0xa: {  	vm3 =	vcmask $0x2F2C;
	vm2 =	vcmask $0x3330;
	v1 =	vsel vm6, $0x2000, v1  }
0xb: {  	s0 =	stileid.u32;
	vm1 =	vcmask $0x3734;
	vm0 =	vcmask $0x3B38;
	v1 =	vsel vm5, $0x2080, v1  }
0xc: {  	v9 =	vimm.s32 $0xA380;
	v63 =	vimm.s32 $0xE380;
	s1 =	sshll.u32 s0, $0x6;
	v1 =	vsel vm4, $0x2100, v1  }
0xd: {  	v9 =	vsel vm14, $0x8000, v9;
	v0 =	vmov s1;
	v1 =	vsel vm3, $0x2180, v1  }
0xe: {  	v3 =	vor.u32 s1, v2;
	v4 =	vshll.u32 v0, $0x3;
	v1 =	vsel vm2, $0x2200, v1  }
0xf: {  	v3 =	vand.u32 $0x4F, v3;
	v4 =	vand.u32 $0x1C00, v4;
	v1 =	vsel vm1, $0x2280, v1  }
0x10: {  	v9 =	vsel vm13, $0x8080, v9;
	v3 =	vor.u32 v3, v4;
	v1 =	vsel vm0, $0x2300, v1  }
0x11: {  	v5 =	vor.u32 $0x10, v2;
	v9 =	vsel vm12, $0x8100, v9;
	v1 =	vor.u32 v1, v3  }
0x12: {  	v3 =	vor.u32 s1, v5;
	v5 =	vor.u32 $0x20, v2;
	v2 =	vor.u32 $0x30, v2  }
0x13: {  	v3 =	vand.u32 $0x5F, v3;
	v6 =	vor.u32 s1, v5;
	v7 =	vor.u32 s1, v2  }
0x14: {  	v2 =	vimm.s32 $0x6380;
	v3 =	vor.u32 v3, v4;
	v5 =	vand.u32 $0x6F, v6  }
0x15: {  	v8 =	vand.u32 $0x7F, v7;
	v2 =	vsel vm14, $0x4000, v2;
	v5 =	vor.u32 v5, v4  }
0x16: {  	v4 =	vor.u32 v8, v4;
	v8 =	vsel vm14, $0xC000, v63;
	v2 =	vsel vm13, $0x4080, v2  }
0x17: {  	v9 =	vsel vm11, $0x8180, v9;
	v8 =	vsel vm13, $0xC080, v8;
	v2 =	vsel vm12, $0x4100, v2  }
0x18: {  	v9 =	vsel vm10, $0x8200, v9;
	v8 =	vsel vm12, $0xC100, v8;
	v2 =	vsel vm11, $0x4180, v2  }
0x19: {  	v9 =	vsel vm9, $0x8280, v9;
	v8 =	vsel vm11, $0xC180, v8;
	v2 =	vsel vm10, $0x4200, v2  }
0x1a: {  	v9 =	vsel vm8, $0x8300, v9;
	v8 =	vsel vm10, $0xC200, v8;
	v2 =	vsel vm9, $0x4280, v2  }
0x1b: {  	v9 =	vsel vm7, $0x8380, v9;
	v8 =	vsel vm9, $0xC280, v8;
	v2 =	vsel vm8, $0x4300, v2  }
0x1c: {  	s3 =	rddreg [dreg:$0x0];
	v9 =	vsel vm6, $0xA000, v9;
	v8 =	vsel vm8, $0xC300, v8;
	v2 =	vsel vm7, $0x4380, v2  }
0x1d: {  	s4 =	rddreg [dreg:$0x1];
	v9 =	vsel vm5, $0xA080, v9;
	v8 =	vsel vm7, $0xC380, v8;
	v2 =	vsel vm6, $0x6000, v2  }
0x1e: {  	s5 =	rddreg [dreg:$0x2];
	s2 =	simm.s32 $0x0;
	s6 =	srdreg.scid;
	v9 =	vsel vm4, $0xA100, v9;
	v8 =	vsel vm6, $0xE000, v8;
	v2 =	vsel vm5, $0x6080, v2  }
0x1f: {  	[smem:$0x7FF] =	sst s2;
	s8 =	sand.u32 $0x1, s6;
	v9 =	vsel vm3, $0xA180, v9;
	v8 =	vsel vm5, $0xE080, v8;
	v2 =	vsel vm4, $0x6100, v2  }
0x20: {  	s10 =	sshll.u32 s0, $0xD;
	s6 =	ssub.s32 $0x2, s8;
	s9 =	smul.u32 $0x3E8, s8;
	v9 =	vsel vm2, $0xA200, v9;
	v8 =	vsel vm4, $0xE100, v8;
	v2 =	vsel vm3, $0x6180, v2  }
0x21: {  	s31 =	sshll.u32 s8, $0x11;
	s5 =	sadd.s32 s5, s10;
	p0 =	sne.s32 s8, $0x0;
	v9 =	vsel vm1, $0xA280, v9;
	v8 =	vsel vm3, $0xE180, v8;
	v2 =	vsel vm2, $0x6200, v2  }
0x22: {  	s8 =	simm.s32 $0x1F80;
	s10 =	simm.s32 $0x0;
	s7 =	sshrl.u32 s6, $0x1;
	v9 =	vsel vm0, $0xA300, v9;
	v8 =	vsel vm2, $0xE200, v8;
	v2 =	vsel vm1, $0x6280, v2  }
0x23: {  	s5 =	sadd.s32 s31, s5;
	s6 =	ssub.s32 s6, s7;
	s3 =	sadd.s32 s3, s9;
	v8 =	vsel vm1, $0xE280, v8;
	v2 =	vsel vm0, $0x6300, v2;
	vm1 =	vlt.u32 @!p0 v6, $0x3E8  }
0x24: {  	s4 =	sadd.s32 s4, s9;
	s7 =	simm.s32 $0x1;
	s9 =	simm.s32 $0x3F00;
	v8 =	vsel vm0, $0xE300, v8;
	v2 =	vor.u32 v2, v3;
	v3 =	vor.u32 v9, v5  }
0x25: {  	s6 =	smax.u32 s6, $0x1;
	s1 =	rddreg [dreg:$0x3];
	_ =	strace $0x80000047;
	v5 =	vimm.f32 $0.0e+00;
	vm0 =	vlt.u32 @!p0 v7, $0x3E8;
	v4 =	vor.u32 v8, v4  }
.LBB2_1:
0x26: {  	[tilespmem:s2], [sflag:$0x1] =	stream.linear.gather [hbm4b:s3+s2], $0x1F40, $0x38;
	[tilespmem:$0x13F00] =	vst v63  }
0x27: {  	_ =	swait.ge [sflag:s7], $0x1F40  }
0x28: {  	[sflag:s7] =	ssyncset.done $0x0  }
0x29: {  	[sflag:s7] =	ssyncadd.s32 $0xFFFFE0C0  }
0x2a: {  	[tilespmem:s8], [sflag:$0x1] =	stream.linear.gather [hbm4b:s4+s2], $0x1F40, $0x38;
	[tilespmem:$0x13F00] =	vst v63  }
0x2b: {  	_ =	swait.ge [sflag:s7], $0x1F40  }
0x2c: {  	s11 =	simm.s32 $0xFFFF0000;
	s12 =	simm.s32 $0x0;
	[sflag:s7] =	ssyncset.done $0x0  }
0x2d: {  	s13 =	simm.s32 $0x0;
	s14 =	simm.s32 $0x0;
	[sflag:s7] =	ssyncadd.s32 $0xFFFFE0C0  }
.LBB2_2:
0x2e: {  	s15 =	sadd.s32 $0x10000, s11  }
0x2f: {  	s16 =	sand.u32 $0x380, s14;
	s15 =	sand.u32 $0xE000, s15  }
0x30: {  	s15 =	sor.u32 s16, s15  }
0x31: {  	[tilespmem:s15+$0x3F00] =	vst v5  }
0x32: {  	[tilespmem:s15+$0x3F10] =	vst v5  }
0x33: {  	[tilespmem:s15+$0x3F20] =	vst v5  }
0x34: {  	[tilespmem:s15+$0x3F30] =	vst v5  }
0x35: {  	[tilespmem:s15+$0x3F40] =	vst v5  }
0x36: {  	[tilespmem:s15+$0x3F50] =	vst v5  }
0x37: {  	[tilespmem:s15+$0x3F60] =	vst v5  }
0x38: {  	[tilespmem:s15+$0x3F70] =	vst v5  }
0x39: {  	[tilespmem:s15+$0x4300] =	vst v5  }
0x3a: {  	[tilespmem:s15+$0x4310] =	vst v5  }
0x3b: {  	[tilespmem:s15+$0x4320] =	vst v5  }
0x3c: {  	[tilespmem:s15+$0x4330] =	vst v5  }
0x3d: {  	[tilespmem:s15+$0x4340] =	vst v5  }
0x3e: {  	[tilespmem:s15+$0x4350] =	vst v5  }
0x3f: {  	[tilespmem:s15+$0x4360] =	vst v5  }
0x40: {  	[tilespmem:s15+$0x4370] =	vst v5  }
0x41: {  	[tilespmem:s15+$0x4700] =	vst v5  }
0x42: {  	[tilespmem:s15+$0x4710] =	vst v5  }
0x43: {  	[tilespmem:s15+$0x4720] =	vst v5  }
0x44: {  	[tilespmem:s15+$0x4730] =	vst v5  }
0x45: {  	[tilespmem:s15+$0x4740] =	vst v5  }
0x46: {  	[tilespmem:s15+$0x4750] =	vst v5  }
0x47: {  	[tilespmem:s15+$0x4760] =	vst v5  }
0x48: {  	[tilespmem:s15+$0x4770] =	vst v5  }
0x49: {  	[tilespmem:s15+$0x4B00] =	vst v5  }
0x4a: {  	[tilespmem:s15+$0x4B10] =	vst v5  }
0x4b: {  	[tilespmem:s15+$0x4B20] =	vst v5  }
0x4c: {  	[tilespmem:s15+$0x4B30] =	vst v5  }
0x4d: {  	[tilespmem:s15+$0x4B40] =	vst v5  }
0x4e: {  	[tilespmem:s15+$0x4B50] =	vst v5  }
0x4f: {  	[tilespmem:s15+$0x4B60] =	vst v5  }
0x50: {  	[tilespmem:s15+$0x4B70] =	vst v5  }
0x51: {  	[tilespmem:s15+$0x4F00] =	vst v5  }
0x52: {  	[tilespmem:s15+$0x4F10] =	vst v5  }
0x53: {  	[tilespmem:s15+$0x4F20] =	vst v5  }
0x54: {  	[tilespmem:s15+$0x4F30] =	vst v5  }
0x55: {  	[tilespmem:s15+$0x4F40] =	vst v5  }
0x56: {  	[tilespmem:s15+$0x4F50] =	vst v5  }
0x57: {  	[tilespmem:s15+$0x4F60] =	vst v5  }
0x58: {  	[tilespmem:s15+$0x4F70] =	vst v5  }
0x59: {  	[tilespmem:s15+$0x5300] =	vst v5  }
0x5a: {  	[tilespmem:s15+$0x5310] =	vst v5  }
0x5b: {  	[tilespmem:s15+$0x5320] =	vst v5  }
0x5c: {  	[tilespmem:s15+$0x5330] =	vst v5  }
0x5d: {  	[tilespmem:s15+$0x5340] =	vst v5  }
0x5e: {  	[tilespmem:s15+$0x5350] =	vst v5  }
0x5f: {  	[tilespmem:s15+$0x5360] =	vst v5  }
0x60: {  	[tilespmem:s15+$0x5370] =	vst v5  }
0x61: {  	[tilespmem:s15+$0x5700] =	vst v5  }
0x62: {  	[tilespmem:s15+$0x5710] =	vst v5  }
0x63: {  	[tilespmem:s15+$0x5720] =	vst v5  }
0x64: {  	[tilespmem:s15+$0x5730] =	vst v5  }
0x65: {  	s22 =	sand.u32 $0x7, s12;
	[tilespmem:s15+$0x5740] =	vst v5  }
0x66: {  	s16 =	sshll.u32 s22, $0x7;
	[tilespmem:s15+$0x5750] =	vst v5  }
0x67: {  	s16 =	sadd.s32 s16, s13;
	[tilespmem:s15+$0x5760] =	vst v5  }
0x68: {  	[tilespmem:s15+$0x5770] =	vst v5;
	s23 =	sor.u32 $0x1C00, s16  }
0x69: {  	s24 =	sor.u32 $0x1C10, s16;
	[tilespmem:s23+$0x3F00] =	vst v5  }
0x6a: {  	s25 =	sor.u32 $0x1C20, s16;
	[tilespmem:s24+$0x3F00] =	vst v5  }
0x6b: {  	p1 =	sne.s32 s14, $0x1F80;
	s26 =	sor.u32 $0x1C30, s16;
	[tilespmem:s25+$0x3F00] =	vst v5  }
.Ltmp0:
0x6c: {  	s28 =	sor.u32 $0x1C40, s16;
	[tilespmem:s26+$0x3F00] =	vst v5;
	(pc) =	sbr.rel @p1 .LBB2_2-.Ltmp0, $4  }
0x6d: {  	s29 =	sor.u32 $0x1C50, s16;
	[tilespmem:s28+$0x3F00] =	vst v5  }
0x6e: {  	s30 =	sor.u32 $0x1C60, s16;
	[tilespmem:s29+$0x3F00] =	vst v5  }
0x6f: {  	s12 =	sadd.s32 $0x1, s12;
	s31 =	sor.u32 $0x1C70, s16;
	[tilespmem:s30+$0x3F00] =	vst v5  }
0x70: {  	s11 =	sadd.s32 $0x400, s11;
	s14 =	sadd.s32 $0x80, s14;
	s13 =	sadd.s32 $0x400, s13;
	[tilespmem:s31+$0x3F00] =	vst v5  }
0x71: {  	s11 =	simm.s32 $0x0  }
.LBB2_4:
0x72: {  	s12 =	sshra.s32 s11, $0x2  }
0x73: {  	v6 =	vld [tilespmem:s12+$0x1F80];
	_ =	sdelay $0x1  }
0x74: {  	v7 =	vld [tilespmem:s12+$0x0];
	_ =	sdelay $0x2  }
0x75: {  	v8 =	vsub.s32 v6, v0  }
0x76: {  	v9 =	vshll.u32 v8, $0xA  }
0x77: {  	vm2 =	vlt.u32 v8, $0x40;
	v46 =	vadd.s32 v7, v9  }
0x78: {  	(xrf1) =	vunique.msk.u32 vm2, v46;
	_ =	sdelay $0xb  }
0x79: {  	v47 =	vshll.u32 v7, $0x3  }
0x7a: {  	v6 =	vshll.u32 v6, $0x7;
	v8 =	vand.u32 $0xFFFFFC00, v47;
	v9 =	vand.u32 $0xFFFFE000, v9  }
0x7b: {  	v6 =	vand.u32 $0x380, v6;
	v8 =	vadd.s32 v8, v9;
	_, v48, vm3 =	vpop (xrf1)  }
0x7c: {  	v7 =	vand.u32 $0x7F, v7;
	v6 =	vor.u32 v6, v8;
	vm2 =	vmand vm2, vm3  }
0x7d: {  	v6 =	vor.u32 v7, v6;
	_ =	sdelay $0x2  }
0x7e: {  	v7 =	vcvt.s32.f32 v48;
	_ =	sdelay $0x1  }
0x7f: {  	[tilespmem:v6+s9+$0x0] =	vst.idx.add.f32.msk vm2, v7  }
0x80: {  	v6 =	vld [tilespmem:s12+$0x1F90];
	_ =	sdelay $0x1  }
0x81: {  	v7 =	vld [tilespmem:s12+$0x10];
	_ =	sdelay $0x2  }
0x82: {  	v49 =	vsub.s32 v6, v0  }
0x83: {  	v50 =	vshll.u32 v49, $0xA  }
0x84: {  	vm2 =	vlt.u32 v49, $0x40;
	v51 =	vadd.s32 v7, v50  }
0x85: {  	(xrf1) =	vunique.msk.u32 vm2, v51;
	_ =	sdelay $0xb  }
0x86: {  	v52 =	vshll.u32 v7, $0x3  }
0x87: {  	v6 =	vshll.u32 v6, $0x7;
	v8 =	vand.u32 $0xFFFFFC00, v52;
	v9 =	vand.u32 $0xFFFFE000, v50  }
0x88: {  	v6 =	vand.u32 $0x380, v6;
	v8 =	vadd.s32 v8, v9;
	_, v53, vm3 =	vpop (xrf1)  }
0x89: {  	v7 =	vand.u32 $0x7F, v7;
	v6 =	vor.u32 v6, v8;
	vm2 =	vmand vm2, vm3  }
0x8a: {  	v6 =	vor.u32 v7, v6;
	_ =	sdelay $0x2  }
0x8b: {  	v7 =	vcvt.s32.f32 v53;
	_ =	sdelay $0x1  }
0x8c: {  	[tilespmem:v6+s9+$0x0] =	vst.idx.add.f32.msk vm2, v7  }
0x8d: {  	v6 =	vld [tilespmem:s12+$0x1FA0];
	_ =	sdelay $0x1  }
0x8e: {  	v7 =	vld [tilespmem:s12+$0x20];
	_ =	sdelay $0x2  }
0x8f: {  	v54 =	vsub.s32 v6, v0  }
0x90: {  	v55 =	vshll.u32 v54, $0xA  }
0x91: {  	vm2 =	vlt.u32 v54, $0x40;
	v56 =	vadd.s32 v7, v55  }
0x92: {  	(xrf1) =	vunique.msk.u32 vm2, v56;
	_ =	sdelay $0xb  }
0x93: {  	v57 =	vshll.u32 v7, $0x3  }
0x94: {  	v6 =	vshll.u32 v6, $0x7;
	v8 =	vand.u32 $0xFFFFFC00, v57;
	v9 =	vand.u32 $0xFFFFE000, v55  }
0x95: {  	v6 =	vand.u32 $0x380, v6;
	v8 =	vadd.s32 v8, v9;
	_, v58, vm3 =	vpop (xrf1)  }
0x96: {  	v7 =	vand.u32 $0x7F, v7;
	v6 =	vor.u32 v6, v8;
	vm2 =	vmand vm2, vm3  }
0x97: {  	v6 =	vor.u32 v7, v6;
	_ =	sdelay $0x2  }
0x98: {  	v7 =	vcvt.s32.f32 v58;
	_ =	sdelay $0x1  }
0x99: {  	[tilespmem:v6+s9+$0x0] =	vst.idx.add.f32.msk vm2, v7  }
0x9a: {  	v6 =	vld [tilespmem:s12+$0x1FB0];
	_ =	sdelay $0x1  }
0x9b: {  	v7 =	vld [tilespmem:s12+$0x30];
	_ =	sdelay $0x2  }
0x9c: {  	v59 =	vsub.s32 v6, v0  }
0x9d: {  	v60 =	vshll.u32 v59, $0xA  }
0x9e: {  	vm2 =	vlt.u32 v59, $0x40;
	v61 =	vadd.s32 v7, v60  }
0x9f: {  	(xrf1) =	vunique.msk.u32 vm2, v61;
	_ =	sdelay $0xb  }
0xa0: {  	v62 =	vshll.u32 v7, $0x3  }
0xa1: {  	v6 =	vshll.u32 v6, $0x7;
	v8 =	vand.u32 $0xFFFFFC00, v62;
	v9 =	vand.u32 $0xFFFFE000, v60  }
0xa2: {  	v6 =	vand.u32 $0x380, v6;
	v8 =	vadd.s32 v8, v9;
	_, v63, vm3 =	vpop (xrf1)  }
0xa3: {  	v7 =	vand.u32 $0x7F, v7;
	v6 =	vor.u32 v6, v8;
	vm2 =	vmand vm2, vm3  }
0xa4: {  	p1 =	sne.s32 s11, $0x7C00;
	v6 =	vor.u32 v7, v6  }
.Ltmp1:
0xa5: {  	_ = 	snop;
	(pc) =	sbr.rel @p1 .LBB2_4-.Ltmp1, $3  }
0xa6: {  	_ = 	snop  }
0xa7: {  	v7 =	vcvt.s32.f32 v63;
	_ =	sdelay $0x1  }
0xa8: {  	s11 =	sadd.s32 $0x100, s11;
	[tilespmem:v6+s9+$0x0] =	vst.idx.add.f32.msk vm2, v7  }
0xa9: {  	_ =	sdelay $0x2  }
0xaa: {  	v6 =	vimm.f32 @!p0 $1.000000000e+00;
	s11 =	simm.s32 @!p0 $0x3F00  }
0xab: {  	[tilespmem:v1+s11+$0x0] =	vst.idx.add.f32.msk @!p0 $0xffff, v6  }
0xac: {  	s10 =	sadd.s32 $0x1, s10;
	[tilespmem:v2+s11+$0x0] =	vst.idx.add.f32.msk @!p0 $0xffff, v6  }
0xad: {  	p1 =	sne.s32 s10, s6;
	[tilespmem:v3+s11+$0x0] =	vst.idx.add.f32.msk @!p0 vm1, v6  }
.Ltmp2:
0xae: {  	[tilespmem:v4+s11+$0x0] =	vst.idx.add.f32.msk @!p0 vm0, v6;
	(pc) =	sbr.rel @p1 .LBB2_1-.Ltmp2, $4  }
0xaf: {  	[hbm4b:s5+s2] =	stream.linear.scatter [tilespmem:s9], [sflag:$0x1], $0x10000, $0x38;
	[tilespmem:$0x13F00] =	vst v63  }
0xb0: {  	_ =	swait.ge [sflag:s7], $0x10000  }
0xb1: {  	[sflag:s7] =	ssyncset.done $0x0  }
0xb2: {  	[sflag:s7] =	ssyncadd.s32 $0xFFFF0000  }
0xb3: {  	_ =	sfence.sel $0x180000  }
0xb4: {  	[bflag:$0x0] =	sbarrier.arrive $0xFFFF  }
0xb5: {  	p0 =	sne.s32 s0, $0x0;
	_ =	strace $0x90000047  }
0xb6: {  	s0 =	sadd.s32 @!p0 $0x100000, s1;
	[bflag:$0x2] =	sbarrier.arrive $0xFFFF  }
0xb7: {  	[sflag:s0] =	ssyncadd.tile.s32 @!p0 $0x1;
	_ =	shalt  }
.Lfunc_end2:
_tile_overlayer_lowered:
.L_overlay_start_2:
0xb8: {  	(tag) =	ssettag $0x2  }
0xb9: {  	s0 =	rddreg [dreg:$0x0];
	s2 =	stileid.u32  }
0xba: {  	s1 =	rddreg [dreg:$0x1];
	p0 =	sne.s32 s2, $0x0  }
0xbb: {  	s3 =	rddreg [dreg:$0x2];
	[bflag:$0x3] =	sbarrier.arrive $0xFFFF;
	s2 =	simm.s32 @!p0 $0x1C01  }
0xbc: {  	[timem:s3], [sflag:s2] =	dma.local @!p0 [hbm:s0], s1  }
0xbd: {  	s0 =	simm.s32 @!p0 $0x1  }
0xbe: {  	_ =	swait.ge @!p0 [sflag:s0], s1  }
0xbf: {  	s1 =	ssub.s32 @!p0 $0x0, s1;
	[sflag:s0] =	ssyncset.done @!p0 $0x0  }
0xc0: {  	[sflag:s0] =	ssyncadd.s32 @!p0 s1  }
0xc1: {  	[bflag:$0x3] =	sbarrier.arrive $0xFFFF  }
0xc2: {  	_ =	shalt  }

</sc_bundles>
